<compile_context>
chip_gen: v7x
topology: tpu7x:2x2x1
jax: 0.10.2.dev20260603
libtpu: 0.0.44.dev20260713+nightly
codegen_flags: <defaults>
</compile_context>

<pallas_src>
import functools

import jax
import jax.numpy as jnp
from jax import lax
from jax.experimental import pallas as pl
from jax.experimental.pallas import tpu as pltpu
from jax.experimental.pallas import tpu_sc as plsc

V = 1000000
D = 64
R = 16
N = 1024 * 200

NC = 2
NS = 16
NW = NC * NS
B_PER_W = N // NW
CHUNK = 640
NCHUNKS = B_PER_W // CHUNK


def _worker_id():
    return lax.axis_index("s") * NC + lax.axis_index("c")


@functools.cache
def _sc_kernels():
    mesh = plsc.VectorSubcoreMesh(core_axis_name="c", subcore_axis_name="s")

    @functools.partial(
        pl.kernel,
        out_type=jax.ShapeDtypeStruct((N, D), jnp.float32),
        mesh=mesh,
        compiler_params=pltpu.CompilerParams(use_tc_tiling_on_sc=False),
        scratch_types=[
            pltpu.VMEM((B_PER_W,), jnp.int32),
            pltpu.VMEM((CHUNK, D), jnp.float32),
            pltpu.VMEM((CHUNK, D), jnp.float32),
            pltpu.SemaphoreType.DMA,
            pltpu.SemaphoreType.DMA,
        ],
    )
    def base_gather(idx_hbm, table_hbm, out_hbm, idx_v, b0, b1, sem0, sem1):
        base = _worker_id() * B_PER_W
        pltpu.sync_copy(idx_hbm.at[pl.ds(base, B_PER_W)], idx_v)
        bufs = (b0, b1)
        sems = (sem0, sem1)
        cps = [None, None]

        def start(k):
            j = k % 2
            cps[j] = pltpu.async_copy(
                table_hbm.at[idx_v.at[pl.ds(k * CHUNK, CHUNK)]],
                bufs[j], sems[j])

        start(0)
        for k in range(NCHUNKS):
            if k + 1 < NCHUNKS:
                start(k + 1)
            j = k % 2
            cps[j].wait()
            pltpu.sync_copy(
                bufs[j], out_hbm.at[pl.ds(base + k * CHUNK, CHUNK)])

    @functools.partial(
        pl.kernel,
        out_type=jax.ShapeDtypeStruct((N, R), jnp.float32),
        mesh=mesh,
        compiler_params=pltpu.CompilerParams(use_tc_tiling_on_sc=False),
        scratch_types=[
            pltpu.VMEM((B_PER_W,), jnp.int32),
            pltpu.VMEM((B_PER_W, R), jnp.float32),
        ],
    )
    def at_gather(idx_hbm, at_hbm, out_hbm, idx_v, rows_v):
        base = _worker_id() * B_PER_W
        pltpu.sync_copy(idx_hbm.at[pl.ds(base, B_PER_W)], idx_v)
        pltpu.sync_copy(at_hbm.at[idx_v], rows_v)
        pltpu.sync_copy(rows_v, out_hbm.at[pl.ds(base, B_PER_W)])

    return base_gather, at_gather


_BT = 4096


def _tr_body(a_ref, at_ref):
    at_ref[...] = a_ref[...].T


_transpose = pl.pallas_call(
    _tr_body,
    grid=((V + _BT - 1) // _BT,),
    in_specs=[pl.BlockSpec((R, _BT), lambda i: (0, i))],
    out_specs=pl.BlockSpec((_BT, R), lambda i: (i, 0)),
    out_shape=jax.ShapeDtypeStruct((V, R), jnp.float32),
)


_BN = 2048


def _fuse_body(ar_ref, base_ref, bt_ref, out_ref):
    out_ref[...] = base_ref[...] + jnp.dot(
        ar_ref[...], bt_ref[...], preferred_element_type=jnp.float32)


_fuse = pl.pallas_call(
    _fuse_body,
    grid=(N // _BN,),
    in_specs=[
        pl.BlockSpec((_BN, R), lambda i: (i, 0)),
        pl.BlockSpec((_BN, D), lambda i: (i, 0)),
        pl.BlockSpec((R, D), lambda i: (0, 0)),
    ],
    out_specs=pl.BlockSpec((_BN, D), lambda i: (i, 0)),
    out_shape=jax.ShapeDtypeStruct((N, D), jnp.float32),
)


def kernel(x, base_weight, lora_A, lora_B):
    Bsz, Ssz = x.shape
    idx = x.reshape(-1)
    at = _transpose(lora_A)
    base_gather, at_gather = _sc_kernels()
    rows = base_gather(idx, base_weight)
    ar = at_gather(idx, at)
    out = _fuse(ar, rows, lora_B.T)
    return out.reshape(Bsz, Ssz, D)

# --- scband reference (transcript-rebuilt; emitter-appended) ---
"""Pipeline reference for scband-vocab-embedding-with-lo-ra-63196148793994 (READ-ONLY COPY).

The authoritative reference and input builder live on the scoring server;
editing this copy changes nothing except your own understanding.
"""

import jax, jax.numpy as jnp
import numpy as np

VOCAB = 1000000
D = 64      # base embedding dim
R = 16      # LoRA rank
O = 64      # LoRA output dim (lora_B rows)
B = 1024
S = 200


def setup_inputs(seed: int = 0) -> dict:
    key = jax.random.key(seed)
    k1, k2, k3, k4 = jax.random.split(key, 4)
    x = jax.random.randint(k1, (B, S), 0, VOCAB, dtype=jnp.int32)
    base_weight = jax.random.normal(k2, (VOCAB, D), dtype=jnp.float32) * 0.02
    lora_A = jax.random.normal(k3, (R, VOCAB), dtype=jnp.float32) * 0.02
    lora_B = jax.random.normal(k4, (O, R), dtype=jnp.float32) * 0.02
    return {"x": x, "base_weight": base_weight, "lora_A": lora_A, "lora_B": lora_B}


def reference(x, base_weight, lora_A, lora_B):
    Bsz, Ssz = x.shape
    d = base_weight.shape[1]
    # base embedding lookup: base(x)
    base_out = jnp.take(base_weight, x, axis=0)            # [B, S, D]
    # LoRA path: F.embedding(x_flat, lora_A.t()) -> gather rows of lora_A^T
    x_flat = x.reshape(-1)                                  # [B*S]
    ar = jnp.take(lora_A.T, x_flat, axis=0)                 # [B*S, R]
    lora_out = (ar @ lora_B.T).reshape(Bsz, Ssz, lora_B.shape[0])  # [B, S, O]
    # base_out.add_(lora_out[:, :, :d])
    out = base_out + lora_out[:, :, :d]
    return out

if __name__ == "__main__":
    import jax
    _d = setup_inputs()
    print(jax.jit(kernel)(*tuple(_d.values())))

</pallas_src>

<mosaic_0001>
#map = affine_map<(d0, d1) -> (0)>
#map1 = affine_map<(d0, d1) -> (0, 0)>
module attributes {stable_mosaic.version = 14 : i64} {
  func.func @base_gather(%arg0: i32, %arg1: i32, %arg2: memref<204800xi32, #tpu.memory_space<hbm>>, %arg3: memref<1000000x64xf32, #tpu.memory_space<hbm>>, %arg4: memref<204800x64xf32, #tpu.memory_space<hbm>>, %arg5: memref<6400xi32, #tpu.memory_space<vmem>>, %arg6: memref<640x64xf32, #tpu.memory_space<vmem>>, %arg7: memref<640x64xf32, #tpu.memory_space<vmem>>, %arg8: memref<!tpu.dma_semaphore, #tpu.memory_space<semaphore_mem>>, %arg9: memref<!tpu.dma_semaphore, #tpu.memory_space<semaphore_mem>>) attributes {dimension_semantics = [#tpu.dimension_semantics<core_parallel>, #tpu.dimension_semantics<subcore_parallel>], iteration_bounds = array<i64: 2, 16>, scalar_prefetch = 0 : i64, scratch_operands = 5 : i64, tpu.core_type = #tpu.core_type<sc_vector_subcore>, window_params = [{transform_indices = #map}, {transform_indices = #map1}, {transform_indices = #map1}]} {
    %mul3A = arith.constant 2 : i32
    %mul3A_0 = arith.muli %arg1, %mul3A : i32
    %add3A = arith.addi %mul3A_0, %arg0 : i32
    %mul3A_1 = arith.constant 6400 : i32
    %mul3A_2 = arith.muli %add3A, %mul3A_1 : i32
    "tpu.region"() ({
      %run_scoped3A = tpu.sem_alloc : memref<!tpu.dma_semaphore, #tpu.memory_space<semaphore_mem>>
      %dma_start3A_121 = tpu.memref_slice %arg2[%mul3A_2] : memref<204800xi32, #tpu.memory_space<hbm>> -> memref<6400xi32, #tpu.memory_space<hbm>>
      %dma_start3A_122 = tpu.memref_slice %arg2[%mul3A_2] : memref<204800xi32, #tpu.memory_space<hbm>> -> memref<6400xi32, #tpu.memory_space<hbm>>
      tpu.enqueue_dma source(%dma_start3A_122 : memref<6400xi32, #tpu.memory_space<hbm>>) target(%arg5 : memref<6400xi32, #tpu.memory_space<vmem>>) target_semaphore(%run_scoped3A : memref<!tpu.dma_semaphore, #tpu.memory_space<semaphore_mem>>)
      %dma_wait3A_123 = tpu.memref_slice %arg2[%mul3A_2] : memref<204800xi32, #tpu.memory_space<hbm>> -> memref<6400xi32, #tpu.memory_space<hbm>>
      %dma_wait3A_124 = tpu.memref_slice %arg2[%mul3A_2] : memref<204800xi32, #tpu.memory_space<hbm>> -> memref<6400xi32, #tpu.memory_space<hbm>>
      tpu.wait_dma2 semaphore(%run_scoped3A : memref<!tpu.dma_semaphore, #tpu.memory_space<semaphore_mem>>) src(%dma_wait3A_124 : memref<6400xi32, #tpu.memory_space<hbm>>) dst(%arg5 : memref<6400xi32, #tpu.memory_space<vmem>>)
      tpu.yield
    }) : () -> ()
    %dma_start3A = arith.constant 0 : i32
    %dma_start3A_3 = tpu.memref_slice %arg5[%dma_start3A] : memref<6400xi32, #tpu.memory_space<vmem>> -> memref<640xi32, #tpu.memory_space<vmem>>
    %dma_start3A_4 = arith.constant 0 : i32
    %dma_start3A_5 = arith.constant 0 : i32
    %dma_start3A_6 = tpu.memref_slice %arg3[%dma_start3A_4, %dma_start3A_5] : memref<1000000x64xf32, #tpu.memory_space<hbm>> -> memref<1000000x64xf32, #tpu.memory_space<hbm>>
    tpu.enqueue_indirect_dma source(%dma_start3A_6 : memref<1000000x64xf32, #tpu.memory_space<hbm>>) target(%arg6 : memref<640x64xf32, #tpu.memory_space<vmem>>) offsets(%dma_start3A_3 : memref<640xi32, #tpu.memory_space<vmem>>) semaphore(%arg8 : memref<!tpu.dma_semaphore, #tpu.memory_space<semaphore_mem>>)
    %dma_start3A_7 = arith.constant 640 : i32
    %dma_start3A_8 = tpu.memref_slice %arg5[%dma_start3A_7] : memref<6400xi32, #tpu.memory_space<vmem>> -> memref<640xi32, #tpu.memory_space<vmem>>
    %dma_start3A_9 = arith.constant 0 : i32
    %dma_start3A_10 = arith.constant 0 : i32
    %dma_start3A_11 = tpu.memref_slice %arg3[%dma_start3A_9, %dma_start3A_10] : memref<1000000x64xf32, #tpu.memory_space<hbm>> -> memref<1000000x64xf32, #tpu.memory_space<hbm>>
    tpu.enqueue_indirect_dma source(%dma_start3A_11 : memref<1000000x64xf32, #tpu.memory_space<hbm>>) target(%arg7 : memref<640x64xf32, #tpu.memory_space<vmem>>) offsets(%dma_start3A_8 : memref<640xi32, #tpu.memory_space<vmem>>) semaphore(%arg9 : memref<!tpu.dma_semaphore, #tpu.memory_space<semaphore_mem>>)
    %dma_wait3A = arith.constant 0 : i32
    %dma_wait3A_12 = tpu.memref_slice %arg5[%dma_wait3A] : memref<6400xi32, #tpu.memory_space<vmem>> -> memref<640xi32, #tpu.memory_space<vmem>>
    %dma_wait3A_13 = arith.constant 0 : i32
    %dma_wait3A_14 = arith.constant 0 : i32
    %dma_wait3A_15 = tpu.memref_slice %arg3[%dma_wait3A_13, %dma_wait3A_14] : memref<1000000x64xf32, #tpu.memory_space<hbm>> -> memref<1000000x64xf32, #tpu.memory_space<hbm>>
    tpu.wait_indirect_dma semaphore(%arg8 : memref<!tpu.dma_semaphore, #tpu.memory_space<semaphore_mem>>) src(%dma_wait3A_15 : memref<1000000x64xf32, #tpu.memory_space<hbm>>) dst(%arg6 : memref<640x64xf32, #tpu.memory_space<vmem>>)
    %add3A_16 = arith.constant 0 : i32
    %add3A_17 = arith.addi %mul3A_2, %add3A_16 : i32
    "tpu.region"() ({
      %run_scoped3A = tpu.sem_alloc : memref<!tpu.dma_semaphore, #tpu.memory_space<semaphore_mem>>
      %dma_start3A_121 = arith.constant 0 : i32
      %dma_start3A_122 = tpu.memref_slice %arg4[%add3A_17, %dma_start3A_121] : memref<204800x64xf32, #tpu.memory_space<hbm>> -> memref<640x64xf32, #tpu.memory_space<hbm>>
      %dma_start3A_123 = arith.constant 0 : i32
      %dma_start3A_124 = tpu.memref_slice %arg4[%add3A_17, %dma_start3A_123] : memref<204800x64xf32, #tpu.memory_space<hbm>> -> memref<640x64xf32, #tpu.memory_space<hbm>>
      tpu.enqueue_dma source(%arg6 : memref<640x64xf32, #tpu.memory_space<vmem>>) target(%dma_start3A_124 : memref<640x64xf32, #tpu.memory_space<hbm>>) target_semaphore(%run_scoped3A : memref<!tpu.dma_semaphore, #tpu.memory_space<semaphore_mem>>)
      %dma_wait3A_125 = arith.constant 0 : i32
      %dma_wait3A_126 = tpu.memref_slice %arg4[%add3A_17, %dma_wait3A_125] : memref<204800x64xf32, #tpu.memory_space<hbm>> -> memref<640x64xf32, #tpu.memory_space<hbm>>
      %dma_wait3A_127 = arith.constant 0 : i32
      %dma_wait3A_128 = tpu.memref_slice %arg4[%add3A_17, %dma_wait3A_127] : memref<204800x64xf32, #tpu.memory_space<hbm>> -> memref<640x64xf32, #tpu.memory_space<hbm>>
      tpu.wait_dma2 semaphore(%run_scoped3A : memref<!tpu.dma_semaphore, #tpu.memory_space<semaphore_mem>>) src(%arg6 : memref<640x64xf32, #tpu.memory_space<vmem>>) dst(%dma_wait3A_128 : memref<640x64xf32, #tpu.memory_space<hbm>>)
      tpu.yield
    }) : () -> ()
    %dma_start3A_18 = arith.constant 1280 : i32
    %dma_start3A_19 = tpu.memref_slice %arg5[%dma_start3A_18] : memref<6400xi32, #tpu.memory_space<vmem>> -> memref<640xi32, #tpu.memory_space<vmem>>
    %dma_start3A_20 = arith.constant 0 : i32
    %dma_start3A_21 = arith.constant 0 : i32
    %dma_start3A_22 = tpu.memref_slice %arg3[%dma_start3A_20, %dma_start3A_21] : memref<1000000x64xf32, #tpu.memory_space<hbm>> -> memref<1000000x64xf32, #tpu.memory_space<hbm>>
    tpu.enqueue_indirect_dma source(%dma_start3A_22 : memref<1000000x64xf32, #tpu.memory_space<hbm>>) target(%arg6 : memref<640x64xf32, #tpu.memory_space<vmem>>) offsets(%dma_start3A_19 : memref<640xi32, #tpu.memory_space<vmem>>) semaphore(%arg8 : memref<!tpu.dma_semaphore, #tpu.memory_space<semaphore_mem>>)
    %dma_wait3A_23 = arith.constant 640 : i32
    %dma_wait3A_24 = tpu.memref_slice %arg5[%dma_wait3A_23] : memref<6400xi32, #tpu.memory_space<vmem>> -> memref<640xi32, #tpu.memory_space<vmem>>
    %dma_wait3A_25 = arith.constant 0 : i32
    %dma_wait3A_26 = arith.constant 0 : i32
    %dma_wait3A_27 = tpu.memref_slice %arg3[%dma_wait3A_25, %dma_wait3A_26] : memref<1000000x64xf32, #tpu.memory_space<hbm>> -> memref<1000000x64xf32, #tpu.memory_space<hbm>>
    tpu.wait_indirect_dma semaphore(%arg9 : memref<!tpu.dma_semaphore, #tpu.memory_space<semaphore_mem>>) src(%dma_wait3A_27 : memref<1000000x64xf32, #tpu.memory_space<hbm>>) dst(%arg7 : memref<640x64xf32, #tpu.memory_space<vmem>>)
    %add3A_28 = arith.constant 640 : i32
    %add3A_29 = arith.addi %mul3A_2, %add3A_28 : i32
    "tpu.region"() ({
      %run_scoped3A = tpu.sem_alloc : memref<!tpu.dma_semaphore, #tpu.memory_space<semaphore_mem>>
      %dma_start3A_121 = arith.constant 0 : i32
      %dma_start3A_122 = tpu.memref_slice %arg4[%add3A_29, %dma_start3A_121] : memref<204800x64xf32, #tpu.memory_space<hbm>> -> memref<640x64xf32, #tpu.memory_space<hbm>>
      %dma_start3A_123 = arith.constant 0 : i32
      %dma_start3A_124 = tpu.memref_slice %arg4[%add3A_29, %dma_start3A_123] : memref<204800x64xf32, #tpu.memory_space<hbm>> -> memref<640x64xf32, #tpu.memory_space<hbm>>
      tpu.enqueue_dma source(%arg7 : memref<640x64xf32, #tpu.memory_space<vmem>>) target(%dma_start3A_124 : memref<640x64xf32, #tpu.memory_space<hbm>>) target_semaphore(%run_scoped3A : memref<!tpu.dma_semaphore, #tpu.memory_space<semaphore_mem>>)
      %dma_wait3A_125 = arith.constant 0 : i32
      %dma_wait3A_126 = tpu.memref_slice %arg4[%add3A_29, %dma_wait3A_125] : memref<204800x64xf32, #tpu.memory_space<hbm>> -> memref<640x64xf32, #tpu.memory_space<hbm>>
      %dma_wait3A_127 = arith.constant 0 : i32
      %dma_wait3A_128 = tpu.memref_slice %arg4[%add3A_29, %dma_wait3A_127] : memref<204800x64xf32, #tpu.memory_space<hbm>> -> memref<640x64xf32, #tpu.memory_space<hbm>>
      tpu.wait_dma2 semaphore(%run_scoped3A : memref<!tpu.dma_semaphore, #tpu.memory_space<semaphore_mem>>) src(%arg7 : memref<640x64xf32, #tpu.memory_space<vmem>>) dst(%dma_wait3A_128 : memref<640x64xf32, #tpu.memory_space<hbm>>)
      tpu.yield
    }) : () -> ()
    %dma_start3A_30 = arith.constant 1920 : i32
    %dma_start3A_31 = tpu.memref_slice %arg5[%dma_start3A_30] : memref<6400xi32, #tpu.memory_space<vmem>> -> memref<640xi32, #tpu.memory_space<vmem>>
    %dma_start3A_32 = arith.constant 0 : i32
    %dma_start3A_33 = arith.constant 0 : i32
    %dma_start3A_34 = tpu.memref_slice %arg3[%dma_start3A_32, %dma_start3A_33] : memref<1000000x64xf32, #tpu.memory_space<hbm>> -> memref<1000000x64xf32, #tpu.memory_space<hbm>>
    tpu.enqueue_indirect_dma source(%dma_start3A_34 : memref<1000000x64xf32, #tpu.memory_space<hbm>>) target(%arg7 : memref<640x64xf32, #tpu.memory_space<vmem>>) offsets(%dma_start3A_31 : memref<640xi32, #tpu.memory_space<vmem>>) semaphore(%arg9 : memref<!tpu.dma_semaphore, #tpu.memory_space<semaphore_mem>>)
    %dma_wait3A_35 = arith.constant 1280 : i32
    %dma_wait3A_36 = tpu.memref_slice %arg5[%dma_wait3A_35] : memref<6400xi32, #tpu.memory_space<vmem>> -> memref<640xi32, #tpu.memory_space<vmem>>
    %dma_wait3A_37 = arith.constant 0 : i32
    %dma_wait3A_38 = arith.constant 0 : i32
    %dma_wait3A_39 = tpu.memref_slice %arg3[%dma_wait3A_37, %dma_wait3A_38] : memref<1000000x64xf32, #tpu.memory_space<hbm>> -> memref<1000000x64xf32, #tpu.memory_space<hbm>>
    tpu.wait_indirect_dma semaphore(%arg8 : memref<!tpu.dma_semaphore, #tpu.memory_space<semaphore_mem>>) src(%dma_wait3A_39 : memref<1000000x64xf32, #tpu.memory_space<hbm>>) dst(%arg6 : memref<640x64xf32, #tpu.memory_space<vmem>>)
    %add3A_40 = arith.constant 1280 : i32
    %add3A_41 = arith.addi %mul3A_2, %add3A_40 : i32
    "tpu.region"() ({
      %run_scoped3A = tpu.sem_alloc : memref<!tpu.dma_semaphore, #tpu.memory_space<semaphore_mem>>
      %dma_start3A_121 = arith.constant 0 : i32
      %dma_start3A_122 = tpu.memref_slice %arg4[%add3A_41, %dma_start3A_121] : memref<204800x64xf32, #tpu.memory_space<hbm>> -> memref<640x64xf32, #tpu.memory_space<hbm>>
      %dma_start3A_123 = arith.constant 0 : i32
      %dma_start3A_124 = tpu.memref_slice %arg4[%add3A_41, %dma_start3A_123] : memref<204800x64xf32, #tpu.memory_space<hbm>> -> memref<640x64xf32, #tpu.memory_space<hbm>>
      tpu.enqueue_dma source(%arg6 : memref<640x64xf32, #tpu.memory_space<vmem>>) target(%dma_start3A_124 : memref<640x64xf32, #tpu.memory_space<hbm>>) target_semaphore(%run_scoped3A : memref<!tpu.dma_semaphore, #tpu.memory_space<semaphore_mem>>)
      %dma_wait3A_125 = arith.constant 0 : i32
      %dma_wait3A_126 = tpu.memref_slice %arg4[%add3A_41, %dma_wait3A_125] : memref<204800x64xf32, #tpu.memory_space<hbm>> -> memref<640x64xf32, #tpu.memory_space<hbm>>
      %dma_wait3A_127 = arith.constant 0 : i32
      %dma_wait3A_128 = tpu.memref_slice %arg4[%add3A_41, %dma_wait3A_127] : memref<204800x64xf32, #tpu.memory_space<hbm>> -> memref<640x64xf32, #tpu.memory_space<hbm>>
      tpu.wait_dma2 semaphore(%run_scoped3A : memref<!tpu.dma_semaphore, #tpu.memory_space<semaphore_mem>>) src(%arg6 : memref<640x64xf32, #tpu.memory_space<vmem>>) dst(%dma_wait3A_128 : memref<640x64xf32, #tpu.memory_space<hbm>>)
      tpu.yield
    }) : () -> ()
    %dma_start3A_42 = arith.constant 2560 : i32
    %dma_start3A_43 = tpu.memref_slice %arg5[%dma_start3A_42] : memref<6400xi32, #tpu.memory_space<vmem>> -> memref<640xi32, #tpu.memory_space<vmem>>
    %dma_start3A_44 = arith.constant 0 : i32
    %dma_start3A_45 = arith.constant 0 : i32
    %dma_start3A_46 = tpu.memref_slice %arg3[%dma_start3A_44, %dma_start3A_45] : memref<1000000x64xf32, #tpu.memory_space<hbm>> -> memref<1000000x64xf32, #tpu.memory_space<hbm>>
    tpu.enqueue_indirect_dma source(%dma_start3A_46 : memref<1000000x64xf32, #tpu.memory_space<hbm>>) target(%arg6 : memref<640x64xf32, #tpu.memory_space<vmem>>) offsets(%dma_start3A_43 : memref<640xi32, #tpu.memory_space<vmem>>) semaphore(%arg8 : memref<!tpu.dma_semaphore, #tpu.memory_space<semaphore_mem>>)
    %dma_wait3A_47 = arith.constant 1920 : i32
    %dma_wait3A_48 = tpu.memref_slice %arg5[%dma_wait3A_47] : memref<6400xi32, #tpu.memory_space<vmem>> -> memref<640xi32, #tpu.memory_space<vmem>>
    %dma_wait3A_49 = arith.constant 0 : i32
    %dma_wait3A_50 = arith.constant 0 : i32
    %dma_wait3A_51 = tpu.memref_slice %arg3[%dma_wait3A_49, %dma_wait3A_50] : memref<1000000x64xf32, #tpu.memory_space<hbm>> -> memref<1000000x64xf32, #tpu.memory_space<hbm>>
    tpu.wait_indirect_dma semaphore(%arg9 : memref<!tpu.dma_semaphore, #tpu.memory_space<semaphore_mem>>) src(%dma_wait3A_51 : memref<1000000x64xf32, #tpu.memory_space<hbm>>) dst(%arg7 : memref<640x64xf32, #tpu.memory_space<vmem>>)
    %add3A_52 = arith.constant 1920 : i32
    %add3A_53 = arith.addi %mul3A_2, %add3A_52 : i32
    "tpu.region"() ({
      %run_scoped3A = tpu.sem_alloc : memref<!tpu.dma_semaphore, #tpu.memory_space<semaphore_mem>>
      %dma_start3A_121 = arith.constant 0 : i32
      %dma_start3A_122 = tpu.memref_slice %arg4[%add3A_53, %dma_start3A_121] : memref<204800x64xf32, #tpu.memory_space<hbm>> -> memref<640x64xf32, #tpu.memory_space<hbm>>
      %dma_start3A_123 = arith.constant 0 : i32
      %dma_start3A_124 = tpu.memref_slice %arg4[%add3A_53, %dma_start3A_123] : memref<204800x64xf32, #tpu.memory_space<hbm>> -> memref<640x64xf32, #tpu.memory_space<hbm>>
      tpu.enqueue_dma source(%arg7 : memref<640x64xf32, #tpu.memory_space<vmem>>) target(%dma_start3A_124 : memref<640x64xf32, #tpu.memory_space<hbm>>) target_semaphore(%run_scoped3A : memref<!tpu.dma_semaphore, #tpu.memory_space<semaphore_mem>>)
      %dma_wait3A_125 = arith.constant 0 : i32
      %dma_wait3A_126 = tpu.memref_slice %arg4[%add3A_53, %dma_wait3A_125] : memref<204800x64xf32, #tpu.memory_space<hbm>> -> memref<640x64xf32, #tpu.memory_space<hbm>>
      %dma_wait3A_127 = arith.constant 0 : i32
      %dma_wait3A_128 = tpu.memref_slice %arg4[%add3A_53, %dma_wait3A_127] : memref<204800x64xf32, #tpu.memory_space<hbm>> -> memref<640x64xf32, #tpu.memory_space<hbm>>
      tpu.wait_dma2 semaphore(%run_scoped3A : memref<!tpu.dma_semaphore, #tpu.memory_space<semaphore_mem>>) src(%arg7 : memref<640x64xf32, #tpu.memory_space<vmem>>) dst(%dma_wait3A_128 : memref<640x64xf32, #tpu.memory_space<hbm>>)
      tpu.yield
    }) : () -> ()
    %dma_start3A_54 = arith.constant 3200 : i32
    %dma_start3A_55 = tpu.memref_slice %arg5[%dma_start3A_54] : memref<6400xi32, #tpu.memory_space<vmem>> -> memref<640xi32, #tpu.memory_space<vmem>>
    %dma_start3A_56 = arith.constant 0 : i32
    %dma_start3A_57 = arith.constant 0 : i32
    %dma_start3A_58 = tpu.memref_slice %arg3[%dma_start3A_56, %dma_start3A_57] : memref<1000000x64xf32, #tpu.memory_space<hbm>> -> memref<1000000x64xf32, #tpu.memory_space<hbm>>
    tpu.enqueue_indirect_dma source(%dma_start3A_58 : memref<1000000x64xf32, #tpu.memory_space<hbm>>) target(%arg7 : memref<640x64xf32, #tpu.memory_space<vmem>>) offsets(%dma_start3A_55 : memref<640xi32, #tpu.memory_space<vmem>>) semaphore(%arg9 : memref<!tpu.dma_semaphore, #tpu.memory_space<semaphore_mem>>)
    %dma_wait3A_59 = arith.constant 2560 : i32
    %dma_wait3A_60 = tpu.memref_slice %arg5[%dma_wait3A_59] : memref<6400xi32, #tpu.memory_space<vmem>> -> memref<640xi32, #tpu.memory_space<vmem>>
    %dma_wait3A_61 = arith.constant 0 : i32
    %dma_wait3A_62 = arith.constant 0 : i32
    %dma_wait3A_63 = tpu.memref_slice %arg3[%dma_wait3A_61, %dma_wait3A_62] : memref<1000000x64xf32, #tpu.memory_space<hbm>> -> memref<1000000x64xf32, #tpu.memory_space<hbm>>
    tpu.wait_indirect_dma semaphore(%arg8 : memref<!tpu.dma_semaphore, #tpu.memory_space<semaphore_mem>>) src(%dma_wait3A_63 : memref<1000000x64xf32, #tpu.memory_space<hbm>>) dst(%arg6 : memref<640x64xf32, #tpu.memory_space<vmem>>)
    %add3A_64 = arith.constant 2560 : i32
    %add3A_65 = arith.addi %mul3A_2, %add3A_64 : i32
    "tpu.region"() ({
      %run_scoped3A = tpu.sem_alloc : memref<!tpu.dma_semaphore, #tpu.memory_space<semaphore_mem>>
      %dma_start3A_121 = arith.constant 0 : i32
      %dma_start3A_122 = tpu.memref_slice %arg4[%add3A_65, %dma_start3A_121] : memref<204800x64xf32, #tpu.memory_space<hbm>> -> memref<640x64xf32, #tpu.memory_space<hbm>>
      %dma_start3A_123 = arith.constant 0 : i32
      %dma_start3A_124 = tpu.memref_slice %arg4[%add3A_65, %dma_start3A_123] : memref<204800x64xf32, #tpu.memory_space<hbm>> -> memref<640x64xf32, #tpu.memory_space<hbm>>
      tpu.enqueue_dma source(%arg6 : memref<640x64xf32, #tpu.memory_space<vmem>>) target(%dma_start3A_124 : memref<640x64xf32, #tpu.memory_space<hbm>>) target_semaphore(%run_scoped3A : memref<!tpu.dma_semaphore, #tpu.memory_space<semaphore_mem>>)
      %dma_wait3A_125 = arith.constant 0 : i32
      %dma_wait3A_126 = tpu.memref_slice %arg4[%add3A_65, %dma_wait3A_125] : memref<204800x64xf32, #tpu.memory_space<hbm>> -> memref<640x64xf32, #tpu.memory_space<hbm>>
      %dma_wait3A_127 = arith.constant 0 : i32
      %dma_wait3A_128 = tpu.memref_slice %arg4[%add3A_65, %dma_wait3A_127] : memref<204800x64xf32, #tpu.memory_space<hbm>> -> memref<640x64xf32, #tpu.memory_space<hbm>>
      tpu.wait_dma2 semaphore(%run_scoped3A : memref<!tpu.dma_semaphore, #tpu.memory_space<semaphore_mem>>) src(%arg6 : memref<640x64xf32, #tpu.memory_space<vmem>>) dst(%dma_wait3A_128 : memref<640x64xf32, #tpu.memory_space<hbm>>)
      tpu.yield
    }) : () -> ()
    %dma_start3A_66 = arith.constant 3840 : i32
    %dma_start3A_67 = tpu.memref_slice %arg5[%dma_start3A_66] : memref<6400xi32, #tpu.memory_space<vmem>> -> memref<640xi32, #tpu.memory_space<vmem>>
    %dma_start3A_68 = arith.constant 0 : i32
    %dma_start3A_69 = arith.constant 0 : i32
    %dma_start3A_70 = tpu.memref_slice %arg3[%dma_start3A_68, %dma_start3A_69] : memref<1000000x64xf32, #tpu.memory_space<hbm>> -> memref<1000000x64xf32, #tpu.memory_space<hbm>>
    tpu.enqueue_indirect_dma source(%dma_start3A_70 : memref<1000000x64xf32, #tpu.memory_space<hbm>>) target(%arg6 : memref<640x64xf32, #tpu.memory_space<vmem>>) offsets(%dma_start3A_67 : memref<640xi32, #tpu.memory_space<vmem>>) semaphore(%arg8 : memref<!tpu.dma_semaphore, #tpu.memory_space<semaphore_mem>>)
    %dma_wait3A_71 = arith.constant 3200 : i32
    %dma_wait3A_72 = tpu.memref_slice %arg5[%dma_wait3A_71] : memref<6400xi32, #tpu.memory_space<vmem>> -> memref<640xi32, #tpu.memory_space<vmem>>
    %dma_wait3A_73 = arith.constant 0 : i32
    %dma_wait3A_74 = arith.constant 0 : i32
    %dma_wait3A_75 = tpu.memref_slice %arg3[%dma_wait3A_73, %dma_wait3A_74] : memref<1000000x64xf32, #tpu.memory_space<hbm>> -> memref<1000000x64xf32, #tpu.memory_space<hbm>>
    tpu.wait_indirect_dma semaphore(%arg9 : memref<!tpu.dma_semaphore, #tpu.memory_space<semaphore_mem>>) src(%dma_wait3A_75 : memref<1000000x64xf32, #tpu.memory_space<hbm>>) dst(%arg7 : memref<640x64xf32, #tpu.memory_space<vmem>>)
    %add3A_76 = arith.constant 3200 : i32
    %add3A_77 = arith.addi %mul3A_2, %add3A_76 : i32
    "tpu.region"() ({
      %run_scoped3A = tpu.sem_alloc : memref<!tpu.dma_semaphore, #tpu.memory_space<semaphore_mem>>
      %dma_start3A_121 = arith.constant 0 : i32
      %dma_start3A_122 = tpu.memref_slice %arg4[%add3A_77, %dma_start3A_121] : memref<204800x64xf32, #tpu.memory_space<hbm>> -> memref<640x64xf32, #tpu.memory_space<hbm>>
      %dma_start3A_123 = arith.constant 0 : i32
      %dma_start3A_124 = tpu.memref_slice %arg4[%add3A_77, %dma_start3A_123] : memref<204800x64xf32, #tpu.memory_space<hbm>> -> memref<640x64xf32, #tpu.memory_space<hbm>>
      tpu.enqueue_dma source(%arg7 : memref<640x64xf32, #tpu.memory_space<vmem>>) target(%dma_start3A_124 : memref<640x64xf32, #tpu.memory_space<hbm>>) target_semaphore(%run_scoped3A : memref<!tpu.dma_semaphore, #tpu.memory_space<semaphore_mem>>)
      %dma_wait3A_125 = arith.constant 0 : i32
      %dma_wait3A_126 = tpu.memref_slice %arg4[%add3A_77, %dma_wait3A_125] : memref<204800x64xf32, #tpu.memory_space<hbm>> -> memref<640x64xf32, #tpu.memory_space<hbm>>
      %dma_wait3A_127 = arith.constant 0 : i32
      %dma_wait3A_128 = tpu.memref_slice %arg4[%add3A_77, %dma_wait3A_127] : memref<204800x64xf32, #tpu.memory_space<hbm>> -> memref<640x64xf32, #tpu.memory_space<hbm>>
      tpu.wait_dma2 semaphore(%run_scoped3A : memref<!tpu.dma_semaphore, #tpu.memory_space<semaphore_mem>>) src(%arg7 : memref<640x64xf32, #tpu.memory_space<vmem>>) dst(%dma_wait3A_128 : memref<640x64xf32, #tpu.memory_space<hbm>>)
      tpu.yield
    }) : () -> ()
    %dma_start3A_78 = arith.constant 4480 : i32
    %dma_start3A_79 = tpu.memref_slice %arg5[%dma_start3A_78] : memref<6400xi32, #tpu.memory_space<vmem>> -> memref<640xi32, #tpu.memory_space<vmem>>
    %dma_start3A_80 = arith.constant 0 : i32
    %dma_start3A_81 = arith.constant 0 : i32
    %dma_start3A_82 = tpu.memref_slice %arg3[%dma_start3A_80, %dma_start3A_81] : memref<1000000x64xf32, #tpu.memory_space<hbm>> -> memref<1000000x64xf32, #tpu.memory_space<hbm>>
    tpu.enqueue_indirect_dma source(%dma_start3A_82 : memref<1000000x64xf32, #tpu.memory_space<hbm>>) target(%arg7 : memref<640x64xf32, #tpu.memory_space<vmem>>) offsets(%dma_start3A_79 : memref<640xi32, #tpu.memory_space<vmem>>) semaphore(%arg9 : memref<!tpu.dma_semaphore, #tpu.memory_space<semaphore_mem>>)
    %dma_wait3A_83 = arith.constant 3840 : i32
    %dma_wait3A_84 = tpu.memref_slice %arg5[%dma_wait3A_83] : memref<6400xi32, #tpu.memory_space<vmem>> -> memref<640xi32, #tpu.memory_space<vmem>>
    %dma_wait3A_85 = arith.constant 0 : i32
    %dma_wait3A_86 = arith.constant 0 : i32
    %dma_wait3A_87 = tpu.memref_slice %arg3[%dma_wait3A_85, %dma_wait3A_86] : memref<1000000x64xf32, #tpu.memory_space<hbm>> -> memref<1000000x64xf32, #tpu.memory_space<hbm>>
    tpu.wait_indirect_dma semaphore(%arg8 : memref<!tpu.dma_semaphore, #tpu.memory_space<semaphore_mem>>) src(%dma_wait3A_87 : memref<1000000x64xf32, #tpu.memory_space<hbm>>) dst(%arg6 : memref<640x64xf32, #tpu.memory_space<vmem>>)
    %add3A_88 = arith.constant 3840 : i32
    %add3A_89 = arith.addi %mul3A_2, %add3A_88 : i32
    "tpu.region"() ({
      %run_scoped3A = tpu.sem_alloc : memref<!tpu.dma_semaphore, #tpu.memory_space<semaphore_mem>>
      %dma_start3A_121 = arith.constant 0 : i32
      %dma_start3A_122 = tpu.memref_slice %arg4[%add3A_89, %dma_start3A_121] : memref<204800x64xf32, #tpu.memory_space<hbm>> -> memref<640x64xf32, #tpu.memory_space<hbm>>
      %dma_start3A_123 = arith.constant 0 : i32
      %dma_start3A_124 = tpu.memref_slice %arg4[%add3A_89, %dma_start3A_123] : memref<204800x64xf32, #tpu.memory_space<hbm>> -> memref<640x64xf32, #tpu.memory_space<hbm>>
      tpu.enqueue_dma source(%arg6 : memref<640x64xf32, #tpu.memory_space<vmem>>) target(%dma_start3A_124 : memref<640x64xf32, #tpu.memory_space<hbm>>) target_semaphore(%run_scoped3A : memref<!tpu.dma_semaphore, #tpu.memory_space<semaphore_mem>>)
      %dma_wait3A_125 = arith.constant 0 : i32
      %dma_wait3A_126 = tpu.memref_slice %arg4[%add3A_89, %dma_wait3A_125] : memref<204800x64xf32, #tpu.memory_space<hbm>> -> memref<640x64xf32, #tpu.memory_space<hbm>>
      %dma_wait3A_127 = arith.constant 0 : i32
      %dma_wait3A_128 = tpu.memref_slice %arg4[%add3A_89, %dma_wait3A_127] : memref<204800x64xf32, #tpu.memory_space<hbm>> -> memref<640x64xf32, #tpu.memory_space<hbm>>
      tpu.wait_dma2 semaphore(%run_scoped3A : memref<!tpu.dma_semaphore, #tpu.memory_space<semaphore_mem>>) src(%arg6 : memref<640x64xf32, #tpu.memory_space<vmem>>) dst(%dma_wait3A_128 : memref<640x64xf32, #tpu.memory_space<hbm>>)
      tpu.yield
    }) : () -> ()
    %dma_start3A_90 = arith.constant 5120 : i32
    %dma_start3A_91 = tpu.memref_slice %arg5[%dma_start3A_90] : memref<6400xi32, #tpu.memory_space<vmem>> -> memref<640xi32, #tpu.memory_space<vmem>>
    %dma_start3A_92 = arith.constant 0 : i32
    %dma_start3A_93 = arith.constant 0 : i32
    %dma_start3A_94 = tpu.memref_slice %arg3[%dma_start3A_92, %dma_start3A_93] : memref<1000000x64xf32, #tpu.memory_space<hbm>> -> memref<1000000x64xf32, #tpu.memory_space<hbm>>
    tpu.enqueue_indirect_dma source(%dma_start3A_94 : memref<1000000x64xf32, #tpu.memory_space<hbm>>) target(%arg6 : memref<640x64xf32, #tpu.memory_space<vmem>>) offsets(%dma_start3A_91 : memref<640xi32, #tpu.memory_space<vmem>>) semaphore(%arg8 : memref<!tpu.dma_semaphore, #tpu.memory_space<semaphore_mem>>)
    %dma_wait3A_95 = arith.constant 4480 : i32
    %dma_wait3A_96 = tpu.memref_slice %arg5[%dma_wait3A_95] : memref<6400xi32, #tpu.memory_space<vmem>> -> memref<640xi32, #tpu.memory_space<vmem>>
    %dma_wait3A_97 = arith.constant 0 : i32
    %dma_wait3A_98 = arith.constant 0 : i32
    %dma_wait3A_99 = tpu.memref_slice %arg3[%dma_wait3A_97, %dma_wait3A_98] : memref<1000000x64xf32, #tpu.memory_space<hbm>> -> memref<1000000x64xf32, #tpu.memory_space<hbm>>
    tpu.wait_indirect_dma semaphore(%arg9 : memref<!tpu.dma_semaphore, #tpu.memory_space<semaphore_mem>>) src(%dma_wait3A_99 : memref<1000000x64xf32, #tpu.memory_space<hbm>>) dst(%arg7 : memref<640x64xf32, #tpu.memory_space<vmem>>)
    %add3A_100 = arith.constant 4480 : i32
    %add3A_101 = arith.addi %mul3A_2, %add3A_100 : i32
    "tpu.region"() ({
      %run_scoped3A = tpu.sem_alloc : memref<!tpu.dma_semaphore, #tpu.memory_space<semaphore_mem>>
      %dma_start3A_121 = arith.constant 0 : i32
      %dma_start3A_122 = tpu.memref_slice %arg4[%add3A_101, %dma_start3A_121] : memref<204800x64xf32, #tpu.memory_space<hbm>> -> memref<640x64xf32, #tpu.memory_space<hbm>>
      %dma_start3A_123 = arith.constant 0 : i32
      %dma_start3A_124 = tpu.memref_slice %arg4[%add3A_101, %dma_start3A_123] : memref<204800x64xf32, #tpu.memory_space<hbm>> -> memref<640x64xf32, #tpu.memory_space<hbm>>
      tpu.enqueue_dma source(%arg7 : memref<640x64xf32, #tpu.memory_space<vmem>>) target(%dma_start3A_124 : memref<640x64xf32, #tpu.memory_space<hbm>>) target_semaphore(%run_scoped3A : memref<!tpu.dma_semaphore, #tpu.memory_space<semaphore_mem>>)
      %dma_wait3A_125 = arith.constant 0 : i32
      %dma_wait3A_126 = tpu.memref_slice %arg4[%add3A_101, %dma_wait3A_125] : memref<204800x64xf32, #tpu.memory_space<hbm>> -> memref<640x64xf32, #tpu.memory_space<hbm>>
      %dma_wait3A_127 = arith.constant 0 : i32
      %dma_wait3A_128 = tpu.memref_slice %arg4[%add3A_101, %dma_wait3A_127] : memref<204800x64xf32, #tpu.memory_space<hbm>> -> memref<640x64xf32, #tpu.memory_space<hbm>>
      tpu.wait_dma2 semaphore(%run_scoped3A : memref<!tpu.dma_semaphore, #tpu.memory_space<semaphore_mem>>) src(%arg7 : memref<640x64xf32, #tpu.memory_space<vmem>>) dst(%dma_wait3A_128 : memref<640x64xf32, #tpu.memory_space<hbm>>)
      tpu.yield
    }) : () -> ()
    %dma_start3A_102 = arith.constant 5760 : i32
    %dma_start3A_103 = tpu.memref_slice %arg5[%dma_start3A_102] : memref<6400xi32, #tpu.memory_space<vmem>> -> memref<640xi32, #tpu.memory_space<vmem>>
    %dma_start3A_104 = arith.constant 0 : i32
    %dma_start3A_105 = arith.constant 0 : i32
    %dma_start3A_106 = tpu.memref_slice %arg3[%dma_start3A_104, %dma_start3A_105] : memref<1000000x64xf32, #tpu.memory_space<hbm>> -> memref<1000000x64xf32, #tpu.memory_space<hbm>>
    tpu.enqueue_indirect_dma source(%dma_start3A_106 : memref<1000000x64xf32, #tpu.memory_space<hbm>>) target(%arg7 : memref<640x64xf32, #tpu.memory_space<vmem>>) offsets(%dma_start3A_103 : memref<640xi32, #tpu.memory_space<vmem>>) semaphore(%arg9 : memref<!tpu.dma_semaphore, #tpu.memory_space<semaphore_mem>>)
    %dma_wait3A_107 = arith.constant 5120 : i32
    %dma_wait3A_108 = tpu.memref_slice %arg5[%dma_wait3A_107] : memref<6400xi32, #tpu.memory_space<vmem>> -> memref<640xi32, #tpu.memory_space<vmem>>
    %dma_wait3A_109 = arith.constant 0 : i32
    %dma_wait3A_110 = arith.constant 0 : i32
    %dma_wait3A_111 = tpu.memref_slice %arg3[%dma_wait3A_109, %dma_wait3A_110] : memref<1000000x64xf32, #tpu.memory_space<hbm>> -> memref<1000000x64xf32, #tpu.memory_space<hbm>>
    tpu.wait_indirect_dma semaphore(%arg8 : memref<!tpu.dma_semaphore, #tpu.memory_space<semaphore_mem>>) src(%dma_wait3A_111 : memref<1000000x64xf32, #tpu.memory_space<hbm>>) dst(%arg6 : memref<640x64xf32, #tpu.memory_space<vmem>>)
    %add3A_112 = arith.constant 5120 : i32
    %add3A_113 = arith.addi %mul3A_2, %add3A_112 : i32
    "tpu.region"() ({
      %run_scoped3A = tpu.sem_alloc : memref<!tpu.dma_semaphore, #tpu.memory_space<semaphore_mem>>
      %dma_start3A_121 = arith.constant 0 : i32
      %dma_start3A_122 = tpu.memref_slice %arg4[%add3A_113, %dma_start3A_121] : memref<204800x64xf32, #tpu.memory_space<hbm>> -> memref<640x64xf32, #tpu.memory_space<hbm>>
      %dma_start3A_123 = arith.constant 0 : i32
      %dma_start3A_124 = tpu.memref_slice %arg4[%add3A_113, %dma_start3A_123] : memref<204800x64xf32, #tpu.memory_space<hbm>> -> memref<640x64xf32, #tpu.memory_space<hbm>>
      tpu.enqueue_dma source(%arg6 : memref<640x64xf32, #tpu.memory_space<vmem>>) target(%dma_start3A_124 : memref<640x64xf32, #tpu.memory_space<hbm>>) target_semaphore(%run_scoped3A : memref<!tpu.dma_semaphore, #tpu.memory_space<semaphore_mem>>)
      %dma_wait3A_125 = arith.constant 0 : i32
      %dma_wait3A_126 = tpu.memref_slice %arg4[%add3A_113, %dma_wait3A_125] : memref<204800x64xf32, #tpu.memory_space<hbm>> -> memref<640x64xf32, #tpu.memory_space<hbm>>
      %dma_wait3A_127 = arith.constant 0 : i32
      %dma_wait3A_128 = tpu.memref_slice %arg4[%add3A_113, %dma_wait3A_127] : memref<204800x64xf32, #tpu.memory_space<hbm>> -> memref<640x64xf32, #tpu.memory_space<hbm>>
      tpu.wait_dma2 semaphore(%run_scoped3A : memref<!tpu.dma_semaphore, #tpu.memory_space<semaphore_mem>>) src(%arg6 : memref<640x64xf32, #tpu.memory_space<vmem>>) dst(%dma_wait3A_128 : memref<640x64xf32, #tpu.memory_space<hbm>>)
      tpu.yield
    }) : () -> ()
    %dma_wait3A_114 = arith.constant 5760 : i32
    %dma_wait3A_115 = tpu.memref_slice %arg5[%dma_wait3A_114] : memref<6400xi32, #tpu.memory_space<vmem>> -> memref<640xi32, #tpu.memory_space<vmem>>
    %dma_wait3A_116 = arith.constant 0 : i32
    %dma_wait3A_117 = arith.constant 0 : i32
    %dma_wait3A_118 = tpu.memref_slice %arg3[%dma_wait3A_116, %dma_wait3A_117] : memref<1000000x64xf32, #tpu.memory_space<hbm>> -> memref<1000000x64xf32, #tpu.memory_space<hbm>>
    tpu.wait_indirect_dma semaphore(%arg9 : memref<!tpu.dma_semaphore, #tpu.memory_space<semaphore_mem>>) src(%dma_wait3A_118 : memref<1000000x64xf32, #tpu.memory_space<hbm>>) dst(%arg7 : memref<640x64xf32, #tpu.memory_space<vmem>>)
    %add3A_119 = arith.constant 5760 : i32
    %add3A_120 = arith.addi %mul3A_2, %add3A_119 : i32
    "tpu.region"() ({
      %run_scoped3A = tpu.sem_alloc : memref<!tpu.dma_semaphore, #tpu.memory_space<semaphore_mem>>
      %dma_start3A_121 = arith.constant 0 : i32
      %dma_start3A_122 = tpu.memref_slice %arg4[%add3A_120, %dma_start3A_121] : memref<204800x64xf32, #tpu.memory_space<hbm>> -> memref<640x64xf32, #tpu.memory_space<hbm>>
      %dma_start3A_123 = arith.constant 0 : i32
      %dma_start3A_124 = tpu.memref_slice %arg4[%add3A_120, %dma_start3A_123] : memref<204800x64xf32, #tpu.memory_space<hbm>> -> memref<640x64xf32, #tpu.memory_space<hbm>>
      tpu.enqueue_dma source(%arg7 : memref<640x64xf32, #tpu.memory_space<vmem>>) target(%dma_start3A_124 : memref<640x64xf32, #tpu.memory_space<hbm>>) target_semaphore(%run_scoped3A : memref<!tpu.dma_semaphore, #tpu.memory_space<semaphore_mem>>)
      %dma_wait3A_125 = arith.constant 0 : i32
      %dma_wait3A_126 = tpu.memref_slice %arg4[%add3A_120, %dma_wait3A_125] : memref<204800x64xf32, #tpu.memory_space<hbm>> -> memref<640x64xf32, #tpu.memory_space<hbm>>
      %dma_wait3A_127 = arith.constant 0 : i32
      %dma_wait3A_128 = tpu.memref_slice %arg4[%add3A_120, %dma_wait3A_127] : memref<204800x64xf32, #tpu.memory_space<hbm>> -> memref<640x64xf32, #tpu.memory_space<hbm>>
      tpu.wait_dma2 semaphore(%run_scoped3A : memref<!tpu.dma_semaphore, #tpu.memory_space<semaphore_mem>>) src(%arg7 : memref<640x64xf32, #tpu.memory_space<vmem>>) dst(%dma_wait3A_128 : memref<640x64xf32, #tpu.memory_space<hbm>>)
      tpu.yield
    }) : () -> ()
    return
  }
}

#map = affine_map<(d0, d1) -> (0)>
#map1 = affine_map<(d0, d1) -> (0, 0)>
module attributes {stable_mosaic.version = 14 : i64} {
  func.func @at_gather(%arg0: i32, %arg1: i32, %arg2: memref<204800xi32, #tpu.memory_space<hbm>>, %arg3: memref<1000000x16xf32, #tpu.memory_space<hbm>>, %arg4: memref<204800x16xf32, #tpu.memory_space<hbm>>, %arg5: memref<6400xi32, #tpu.memory_space<vmem>>, %arg6: memref<6400x16xf32, #tpu.memory_space<vmem>>) attributes {dimension_semantics = [#tpu.dimension_semantics<core_parallel>, #tpu.dimension_semantics<subcore_parallel>], iteration_bounds = array<i64: 2, 16>, scalar_prefetch = 0 : i64, scratch_operands = 2 : i64, tpu.core_type = #tpu.core_type<sc_vector_subcore>, window_params = [{transform_indices = #map}, {transform_indices = #map1}, {transform_indices = #map1}]} {
    %mul3A = arith.constant 2 : i32
    %mul3A_0 = arith.muli %arg1, %mul3A : i32
    %add3A = arith.addi %mul3A_0, %arg0 : i32
    %mul3A_1 = arith.constant 6400 : i32
    %mul3A_2 = arith.muli %add3A, %mul3A_1 : i32
    "tpu.region"() ({
      %run_scoped3A = tpu.sem_alloc : memref<!tpu.dma_semaphore, #tpu.memory_space<semaphore_mem>>
      %dma_start3A = tpu.memref_slice %arg2[%mul3A_2] : memref<204800xi32, #tpu.memory_space<hbm>> -> memref<6400xi32, #tpu.memory_space<hbm>>
      %dma_start3A_3 = tpu.memref_slice %arg2[%mul3A_2] : memref<204800xi32, #tpu.memory_space<hbm>> -> memref<6400xi32, #tpu.memory_space<hbm>>
      tpu.enqueue_dma source(%dma_start3A_3 : memref<6400xi32, #tpu.memory_space<hbm>>) target(%arg5 : memref<6400xi32, #tpu.memory_space<vmem>>) target_semaphore(%run_scoped3A : memref<!tpu.dma_semaphore, #tpu.memory_space<semaphore_mem>>)
      %dma_wait3A = tpu.memref_slice %arg2[%mul3A_2] : memref<204800xi32, #tpu.memory_space<hbm>> -> memref<6400xi32, #tpu.memory_space<hbm>>
      %dma_wait3A_4 = tpu.memref_slice %arg2[%mul3A_2] : memref<204800xi32, #tpu.memory_space<hbm>> -> memref<6400xi32, #tpu.memory_space<hbm>>
      tpu.wait_dma2 semaphore(%run_scoped3A : memref<!tpu.dma_semaphore, #tpu.memory_space<semaphore_mem>>) src(%dma_wait3A_4 : memref<6400xi32, #tpu.memory_space<hbm>>) dst(%arg5 : memref<6400xi32, #tpu.memory_space<vmem>>)
      tpu.yield
    }) : () -> ()
    "tpu.region"() ({
      %run_scoped3A = tpu.sem_alloc : memref<!tpu.dma_semaphore, #tpu.memory_space<semaphore_mem>>
      %dma_start3A = arith.constant 0 : i32
      %dma_start3A_3 = arith.constant 0 : i32
      %dma_start3A_4 = tpu.memref_slice %arg3[%dma_start3A, %dma_start3A_3] : memref<1000000x16xf32, #tpu.memory_space<hbm>> -> memref<1000000x16xf32, #tpu.memory_space<hbm>>
      tpu.enqueue_indirect_dma source(%dma_start3A_4 : memref<1000000x16xf32, #tpu.memory_space<hbm>>) target(%arg6 : memref<6400x16xf32, #tpu.memory_space<vmem>>) offsets(%arg5 : memref<6400xi32, #tpu.memory_space<vmem>>) semaphore(%run_scoped3A : memref<!tpu.dma_semaphore, #tpu.memory_space<semaphore_mem>>)
      %dma_wait3A = arith.constant 0 : i32
      %dma_wait3A_5 = arith.constant 0 : i32
      %dma_wait3A_6 = tpu.memref_slice %arg3[%dma_wait3A, %dma_wait3A_5] : memref<1000000x16xf32, #tpu.memory_space<hbm>> -> memref<1000000x16xf32, #tpu.memory_space<hbm>>
      tpu.wait_indirect_dma semaphore(%run_scoped3A : memref<!tpu.dma_semaphore, #tpu.memory_space<semaphore_mem>>) src(%dma_wait3A_6 : memref<1000000x16xf32, #tpu.memory_space<hbm>>) dst(%arg6 : memref<6400x16xf32, #tpu.memory_space<vmem>>)
      tpu.yield
    }) : () -> ()
    "tpu.region"() ({
      %run_scoped3A = tpu.sem_alloc : memref<!tpu.dma_semaphore, #tpu.memory_space<semaphore_mem>>
      %dma_start3A = arith.constant 0 : i32
      %dma_start3A_3 = tpu.memref_slice %arg4[%mul3A_2, %dma_start3A] : memref<204800x16xf32, #tpu.memory_space<hbm>> -> memref<6400x16xf32, #tpu.memory_space<hbm>>
      %dma_start3A_4 = arith.constant 0 : i32
      %dma_start3A_5 = tpu.memref_slice %arg4[%mul3A_2, %dma_start3A_4] : memref<204800x16xf32, #tpu.memory_space<hbm>> -> memref<6400x16xf32, #tpu.memory_space<hbm>>
      tpu.enqueue_dma source(%arg6 : memref<6400x16xf32, #tpu.memory_space<vmem>>) target(%dma_start3A_5 : memref<6400x16xf32, #tpu.memory_space<hbm>>) target_semaphore(%run_scoped3A : memref<!tpu.dma_semaphore, #tpu.memory_space<semaphore_mem>>)
      %dma_wait3A = arith.constant 0 : i32
      %dma_wait3A_6 = tpu.memref_slice %arg4[%mul3A_2, %dma_wait3A] : memref<204800x16xf32, #tpu.memory_space<hbm>> -> memref<6400x16xf32, #tpu.memory_space<hbm>>
      %dma_wait3A_7 = arith.constant 0 : i32
      %dma_wait3A_8 = tpu.memref_slice %arg4[%mul3A_2, %dma_wait3A_7] : memref<204800x16xf32, #tpu.memory_space<hbm>> -> memref<6400x16xf32, #tpu.memory_space<hbm>>
      tpu.wait_dma2 semaphore(%run_scoped3A : memref<!tpu.dma_semaphore, #tpu.memory_space<semaphore_mem>>) src(%arg6 : memref<6400x16xf32, #tpu.memory_space<vmem>>) dst(%dma_wait3A_8 : memref<6400x16xf32, #tpu.memory_space<hbm>>)
      tpu.yield
    }) : () -> ()
    return
  }
}

module attributes {stable_mosaic.version = 14 : i64} {
  func.func @_tr_body(%arg0: i32, %arg1: memref<16x4096xf32, #tpu.memory_space<vmem>>, %arg2: memref<4096x16xf32, #tpu.memory_space<vmem>>) attributes {dimension_semantics = [#tpu.dimension_semantics<arbitrary>], iteration_bounds = array<i64: 245>, scalar_prefetch = 0 : i64, scratch_operands = 0 : i64, tpu.core_type = #tpu.core_type<tc>, window_params = [{transform_indices = @transform_0, window_bounds = array<i64: 16, 4096>}, {transform_indices = @transform_1, window_bounds = array<i64: 4096, 16>}]} {
    %get3A = arith.constant 0 : index
    %get3A_0 = arith.constant 0 : index
    %get3A_1 = vector.load %arg1[%get3A, %get3A_0] : memref<16x4096xf32, #tpu.memory_space<vmem>>, vector<16x4096xf32>
    %transpose3A = tpu.transpose %get3A_1, [1, 0] : vector<16x4096xf32> -> vector<4096x16xf32>
    %swap3A = arith.constant 0 : index
    %swap3A_2 = arith.constant 0 : index
    %swap3A_3 = vector.load %arg2[%swap3A, %swap3A_2] : memref<4096x16xf32, #tpu.memory_space<vmem>>, vector<4096x16xf32>
    tpu.vector_store %arg2[%swap3A, %swap3A_2], %transpose3A {strides = array<i32>} : memref<4096x16xf32, #tpu.memory_space<vmem>>, vector<4096x16xf32>,
    return
  }
  func.func @transform_0(%arg0: i32) -> (i32, i32) {
    %c0_i32 = arith.constant 0 : i32
    %c0_i32_0 = arith.constant 0 : i32
    return %c0_i32, %arg0 : i32, i32
  }
  func.func @transform_1(%arg0: i32) -> (i32, i32) {
    %c0_i32 = arith.constant 0 : i32
    %c0_i32_0 = arith.constant 0 : i32
    return %arg0, %c0_i32 : i32, i32
  }
}

module attributes {stable_mosaic.version = 14 : i64} {
  func.func @_fuse_body(%arg0: i32, %arg1: memref<2048x16xf32, #tpu.memory_space<vmem>>, %arg2: memref<2048x64xf32, #tpu.memory_space<vmem>>, %arg3: memref<16x64xf32, #tpu.memory_space<vmem>>, %arg4: memref<2048x64xf32, #tpu.memory_space<vmem>>) attributes {dimension_semantics = [#tpu.dimension_semantics<arbitrary>], iteration_bounds = array<i64: 100>, scalar_prefetch = 0 : i64, scratch_operands = 0 : i64, tpu.core_type = #tpu.core_type<tc>, window_params = [{transform_indices = @transform_0, window_bounds = array<i64: 2048, 16>}, {transform_indices = @transform_1, window_bounds = array<i64: 2048, 64>}, {pipeline_mode = #tpu.pipeline_mode<synchronous>, transform_indices = @transform_2, window_bounds = array<i64: 16, 64>}, {transform_indices = @transform_3, window_bounds = array<i64: 2048, 64>}]} {
    %get3A = arith.constant 0 : index
    %get3A_0 = arith.constant 0 : index
    %get3A_1 = vector.load %arg2[%get3A, %get3A_0] : memref<2048x64xf32, #tpu.memory_space<vmem>>, vector<2048x64xf32>
    %get3A_2 = arith.constant 0 : index
    %get3A_3 = arith.constant 0 : index
    %get3A_4 = vector.load %arg1[%get3A_2, %get3A_3] : memref<2048x16xf32, #tpu.memory_space<vmem>>, vector<2048x16xf32>
    %get3A_5 = arith.constant 0 : index
    %get3A_6 = arith.constant 0 : index
    %get3A_7 = vector.load %arg3[%get3A_5, %get3A_6] : memref<16x64xf32, #tpu.memory_space<vmem>>, vector<16x64xf32>
    %dot_general3A = arith.constant dense<0.000000e+00> : vector<2048x64xf32>
    %dot_general3A_8 = tpu.matmul %get3A_4, %get3A_7, %dot_general3A {dimension_numbers = #tpu.dot_dimension_numbers<[1], [0], [0], [1], [0, 0, 1, 1], [], []>, transpose_lhs_hint = false} : vector<2048x16xf32>, vector<16x64xf32>, vector<2048x64xf32> -> vector<2048x64xf32>
    %add3A = arith.addf %get3A_1, %dot_general3A_8 : vector<2048x64xf32>
    %swap3A = arith.constant 0 : index
    %swap3A_9 = arith.constant 0 : index
    %swap3A_10 = vector.load %arg4[%swap3A, %swap3A_9] : memref<2048x64xf32, #tpu.memory_space<vmem>>, vector<2048x64xf32>
    tpu.vector_store %arg4[%swap3A, %swap3A_9], %add3A {strides = array<i32>} : memref<2048x64xf32, #tpu.memory_space<vmem>>, vector<2048x64xf32>,
    return
  }
  func.func @transform_0(%arg0: i32) -> (i32, i32) {
    %c0_i32 = arith.constant 0 : i32
    %c0_i32_0 = arith.constant 0 : i32
    return %arg0, %c0_i32 : i32, i32
  }
  func.func @transform_1(%arg0: i32) -> (i32, i32) {
    %c0_i32 = arith.constant 0 : i32
    %c0_i32_0 = arith.constant 0 : i32
    return %arg0, %c0_i32 : i32, i32
  }
  func.func @transform_2(%arg0: i32) -> (i32, i32) {
    %c0_i32 = arith.constant 0 : i32
    %c0_i32_0 = arith.constant 0 : i32
    %c0_i32_1 = arith.constant 0 : i32
    return %c0_i32, %c0_i32_0 : i32, i32
  }
  func.func @transform_3(%arg0: i32) -> (i32, i32) {
    %c0_i32 = arith.constant 0 : i32
    %c0_i32_0 = arith.constant 0 : i32
    return %arg0, %c0_i32 : i32, i32
  }
}

</mosaic_0001>

<sc_bundles>
// kernel: kernel.6.cloned.1.call-start
scs
__scs_entry_jumppad:
0x0: {  	(pc) =	sbr.rel $0x88, $3  }
0x1: {  	(tag) =	ssettag $0x0;
	lr =	simm.s32 $0x1  }
0x2: {  	[smem:$0x3F9D] =	sst lr;
	_ =	strace $0xD0000000  }
0x3: {  	_ = 	snop  }
0x4: {  	_ = 	snop  }
0x5: {  	_ = 	snop  }
0x6: {  	_ = 	snop  }
0x7: {  	_ = 	snop  }
__scs_overlays_trampoline_lowered:
0x8: {  	[smem:$0x3FAC] =	sst s0  }
0x9: {  	[smem:$0x3FAD] =	sst s1  }
0xa: {  	[smem:$0x3FAE] =	sst s2  }
0xb: {  	[smem:$0x3FAF] =	sst s3  }
0xc: {  	[smem:$0x3FB0] =	sst s4  }
0xd: {  	[smem:$0x3FB1] =	sst s5  }
0xe: {  	[smem:$0x3FB2] =	sst s6  }
0xf: {  	[smem:$0x3FB3] =	sst s7  }
0x10: {  	[smem:$0x3FB4] =	sst s8  }
0x11: {  	[smem:$0x3FB5] =	sst s9;
	s0 =	simm.s32 @!p0 $0x0  }
0x12: {  	s1 =	sld [smem:$0x3F9B];
	s0 =	simm.s32 @p0 $0x1  }
0x13: {  	[smem:$0x3FB6] =	sst s0;
	s0 =	simm.s32 @!p1 $0x0  }
0x14: {  	s2 =	sld [smem:$0x3F9A];
	s0 =	simm.s32 @p1 $0x1  }
0x15: {  	[smem:$0x3FB7] =	sst s0;
	s0 =	simm.s32 @!p2 $0x0  }
0x16: {  	s3 =	sld [smem:$0x3FDB];
	s0 =	simm.s32 @p2 $0x1  }
0x17: {  	s4 =	simm.s32 $0x1BF5;
	[smem:$0x3FB9] =	sst s0  }
0x18: {  	s0 =	sld [smem:$0x3F9C];
	_ =	swait.ge [sflag:s4], $0x0  }
0x19: {  	s7 =	sld [smem:$0x3F9D]  }
0x1a: {  	s8 =	sadd.s32 $0xFFFFE003, lr  }
0x1b: {  	s9 =	sadd.s32 $0xFFFFFEF7, lr;
	s5 =	simm.s32 $0xFFFFFFFF;
	p2 =	slt.u32 s8, $0xFFFFF086  }
0x1c: {  	p1 =	slt.u32 s9, $0xF7A;
	s5 =	simm.s32 @!p2 $0x0  }
0x1d: {  	s5 =	simm.s32 @p1 $0x1;
	p0 =	seq.s32 s7, s2  }
0x1e: {  	s7 =	smul.u32 @!p0 $0xF7A, s2;
	p2 =	seq.s32 @!p0 s5, $0x0  }
0x1f: {  	s9 =	smul.u32 $0xF7A, s1;
	s8 =	simm.s32 @!p0 $0x1BF5;
	p2 =	por !p2, p0  }
0x20: {  	[sflag:s8] =	ssyncset.s32 @!p0 $0xFFFFF086;
	s6 =	sadd.s32 @!p0 s3, s7;
	s7 =	simm.s32 @!p0 $0x108  }
0x21: {  	s3 =	sadd.s32 s3, s9;
	s6 =	sadd.s32 @!p0 $0x88, s6;
	s7 =	simm.s32 @p2 $0x1082  }
0x22: {  	[simem:s7], [sflag:s8] =	dma.local @!p0 [hbm:s6], $0xF7A  }
0x23: {  	s9 =	sor.u32 $0xD0000000, s2;
	s6 =	simm.s32 $0x108;
	_ =	swait.ge @!p0 [sflag:s8], $0x0  }
0x24: {  	s3 =	sadd.s32 $0x88, s3;
	s6 =	simm.s32 @!p1 $0x1082;
	[sflag:s4] =	ssyncset.s32 $0xFFFFF086  }
0x25: {  	[simem:s6], [sflag:s4] =	dma.local [hbm:s3], $0xF7A  }
0x26: {  	[smem:$0x3F9D] =	sst s1;
	(tag) =	ssettag s2;
	_ =	strace s9  }
0x27: {  	s1 =	sld [smem:$0x3FAD]  }
0x28: {  	s2 =	sld [smem:$0x3FAE]  }
0x29: {  	s4 =	sld [smem:$0x3FB0]  }
0x2a: {  	p0 =	seq.s32 s5, $0x0;
	s5 =	sld [smem:$0x3FB1]  }
0x2b: {  	s6 =	sld [smem:$0x3FB2]  }
0x2c: {  	s7 =	sld [smem:$0x3FB3]  }
0x2d: {  	s3 =	simm.s32 $0x108;
	s8 =	sld [smem:$0x3FB4]  }
0x2e: {  	s3 =	simm.s32 @!p0 $0x1082;
	s9 =	sld [smem:$0x3FB5]  }
0x2f: {  	lr =	sadd.s32 s0, s3;
	s0 =	sld [smem:$0x3FAC]  }
0x30: {  	s3 =	sld [smem:$0x3FAF]  }
0x31: {  	[smem:$0x3FB8] =	sst s10  }
0x32: {  	s10 =	sld [smem:$0x3FB6];
	_ =	sdelay $0x3  }
0x33: {  	p0 =	seq.s32 s10, $0x1;
	s10 =	sld [smem:$0x3FB8];
	_ =	sdelay $0x3  }
0x34: {  	[smem:$0x3FB8] =	sst s10  }
0x35: {  	s10 =	sld [smem:$0x3FB7];
	_ =	sdelay $0x3  }
0x36: {  	p1 =	seq.s32 s10, $0x1;
	s10 =	sld [smem:$0x3FB8];
	_ =	sdelay $0x3  }
0x37: {  	[smem:$0x3FB8] =	sst s10  }
0x38: {  	s10 =	sld [smem:$0x3FB9]  }
0x39: {  	_ = 	snop;
	(pc) =	sbr.ind lr, $3  }
0x3a: {  	_ = 	snop  }
0x3b: {  	_ = 	snop  }
0x3c: {  	p2 =	seq.s32 s10, $0x1;
	s10 =	sld [smem:$0x3FB8]  }
0x3d: {  	_ =	shalt  }
0x3e: {  	_ =	shalt  }
0x3f: {  	_ =	shalt  }
0x40: {  	_ =	shalt  }
0x41: {  	_ =	shalt  }
0x42: {  	_ =	shalt  }
0x43: {  	_ =	shalt  }
0x44: {  	_ =	shalt  }
0x45: {  	_ =	shalt  }
0x46: {  	_ =	shalt  }
0x47: {  	_ =	shalt  }
0x48: {  	_ =	shalt  }
0x49: {  	_ =	shalt  }
0x4a: {  	_ =	shalt  }
0x4b: {  	_ =	shalt  }
0x4c: {  	_ =	shalt  }
0x4d: {  	_ =	shalt  }
0x4e: {  	_ =	shalt  }
0x4f: {  	_ =	shalt  }
0x50: {  	_ =	shalt  }
0x51: {  	_ =	shalt  }
0x52: {  	_ =	shalt  }
0x53: {  	_ =	shalt  }
0x54: {  	_ =	shalt  }
0x55: {  	_ =	shalt  }
0x56: {  	_ =	shalt  }
0x57: {  	_ =	shalt  }
0x58: {  	_ =	shalt  }
0x59: {  	_ =	shalt  }
0x5a: {  	_ =	shalt  }
0x5b: {  	_ =	shalt  }
0x5c: {  	_ =	shalt  }
0x5d: {  	_ =	shalt  }
0x5e: {  	_ =	shalt  }
0x5f: {  	_ =	shalt  }
0x60: {  	_ =	shalt  }
0x61: {  	_ =	shalt  }
0x62: {  	_ =	shalt  }
0x63: {  	_ =	shalt  }
0x64: {  	_ =	shalt  }
0x65: {  	_ =	shalt  }
0x66: {  	_ =	shalt  }
0x67: {  	_ =	shalt  }
0x68: {  	_ =	shalt  }
0x69: {  	_ =	shalt  }
0x6a: {  	_ =	shalt  }
0x6b: {  	_ =	shalt  }
0x6c: {  	_ =	shalt  }
0x6d: {  	_ =	shalt  }
0x6e: {  	_ =	shalt  }
0x6f: {  	_ =	shalt  }
0x70: {  	_ =	shalt  }
0x71: {  	_ =	shalt  }
0x72: {  	_ =	shalt  }
0x73: {  	_ =	shalt  }
0x74: {  	_ =	shalt  }
0x75: {  	_ =	shalt  }
0x76: {  	_ =	shalt  }
0x77: {  	_ =	shalt  }
0x78: {  	_ =	shalt  }
0x79: {  	_ =	shalt  }
0x7a: {  	_ =	shalt  }
0x7b: {  	_ =	shalt  }
0x7c: {  	_ =	shalt  }
0x7d: {  	_ =	shalt  }
0x7e: {  	_ =	shalt  }
0x7f: {  	_ =	shalt  }
0x80: {  	_ =	shalt  }
0x81: {  	_ =	shalt  }
0x82: {  	_ =	shalt  }
0x83: {  	_ =	shalt  }
0x84: {  	_ =	shalt  }
0x85: {  	_ =	shalt  }
0x86: {  	_ =	shalt  }
0x87: {  	_ =	shalt  }
.Lfunc_end0:
.L_simem_size_0:
called_computation.1_lowered:
.L_overlay_start_0:
0x88: {  	s2 =	sld [smem:$0x3FD9]  }
0x89: {  	s3 =	sld [smem:$0x3FFE];
	_ =	sdelay $0x1  }
0x8a: {  	s1 =	srdreg.scid  }
0x8b: {  	s0 =	sand.u32 $0x1, s1  }
0x8c: {  	s17 =	sshll.u32 s0, $0xA;
	s2 =	sadd.s32 s3, s2  }
0x8d: {  	s2 =	sadd.s32 s2, s17  }
0x8e: {  	[smem:$0x3FC4] =	sst s2  }
0x8f: {  	_ = 	snop  }
0x90: {  	s2 =	sld [smem:$0x3FD0];
	(tm) =	ssettm $0x1  }
0x91: {  	s18 =	sld [smem:$0x3FFB];
	_ =	sdelay $0x3  }
0x92: {  	_ =	strace s18  }
0x93: {  	s3 =	sld [smem:$0x3FFC];
	_ =	sdelay $0x3  }
0x94: {  	_ =	strace s3  }
0x95: {  	s3 =	sld [smem:$0x3FFD];
	_ =	sdelay $0x3  }
0x96: {  	_ =	strace s3  }
0x97: {  	_ =	strace $0x8FFFFFFF  }
0x98: {  	s19 =	sld [smem:$0x3FDB];
	_ =	sdelay $0x1  }
0x99: {  	s4 =	simm.s32 $_scs_section_size  }
0x9a: {  	s5 =	simm.s32 $_size__tile_overlayer_lowered;
	s6 =	simm.s32 $_tile_overlayer_lowered  }
0x9b: {  	s22 =	simm.s32 $0x1BFF;
	s21 =	sshll.u32 s6, $0x1;
	s3 =	sadd.s32 s4, s19  }
0x9c: {  	s7 =	simm.s32 $0x0;
	s20 =	sshll.u32 s5, $0x1;
	s5 =	sadd.s32 s21, s3  }
0x9d: {  	[timem:s7], [sflag:s22] =	dma.local [hbm:s5], s20  }
0x9e: {  	_ =	swait.ge [sflag:s22], s20  }
0x9f: {  	s4 =	ssub.s32 $0x0, s20;
	[sflag:s22] =	ssyncset.done $0x0  }
0xa0: {  	[sflag:s22] =	ssyncadd.s32 s4;
	_ =	sdelay $0x1  }
0xa1: {  	s23 =	simm.s32 $0x1B8B  }
0xa2: {  	_ =	swait.ge [sflag:s23], $0x1  }
0xa3: {  	[sflag:s23] =	ssyncset.done $0x0  }
0xa4: {  	s25 =	simm.s32 $0x1B8E;
	s24 =	sld [smem:$0x3FFE];
	[sflag:s23] =	ssyncadd.s32 $0xFFFFFFFF  }
0xa5: {  	s26 =	simm.s32 $execute0_lowered;
	[smem:$0x3FD2] =	sst s25  }
0xa6: {  	s5 =	sshll.u32 s26, $0x1;
	_ =	strace $0x80000046;
	[dreg:$0x1] =	wrdreg $0xFFFFFFFF  }
0xa7: {  	s28 =	simm.s32 $_size_execute0_lowered;
	s3 =	sadd.s32 s3, s5;
	[dreg:$0x0] =	wrdreg $0x0  }
0xa8: {  	s5 =	sshll.u32 s28, $0x1;
	[dreg:$0x2] =	wrdreg s3  }
0xa9: {  	[dreg:$0x3] =	wrdreg s5  }
0xaa: {  	[dreg:$0x4] =	wrdreg $0xC0  }
0xab: {  	_ =	task [dreg:s7], $0x5FFFF  }
0xac: {  	[dreg:$0x1] =	wrdreg $0xFFFFFFFF  }
0xad: {  	[dreg:$0x0] =	wrdreg $0x60  }
0xae: {  	[dreg:$0x2] =	wrdreg s24  }
0xaf: {  	[dreg:$0x3] =	wrdreg s2  }
0xb0: {  	[dreg:$0x4] =	wrdreg $0x9  }
0xb1: {  	_ =	task.clear_ibuf [dreg:s7], $0x5FFFF;
	_ =	strace $0x90000046  }
0xb2: {  	s29 =	simm.s32 $0x9;
	_ =	strace $0x80000048  }
0xb3: {  	_ =	swait.ge [sflag:s29], $0x1  }
0xb4: {  	[sflag:s29] =	ssyncadd.s32 $0xFFFFFFFF  }
0xb5: {  	_ =	strace $0x90000048  }
0xb6: {  	_ =	sfence  }
0xb7: {  	s30 =	sld [smem:$0x0];
	_ =	sdelay $0x2  }
0xb8: {  	s31 =	sshll.u32 s1, $0xD;
	s1 =	sshrl.u32 s1, $0x2  }
0xb9: {  	s3 =	sand.u32 $0x4000, s31;
	s1 =	sadd.s32 s1, s30  }
0xba: {  	s0 =	sor.u32 s3, s0;
	s1 =	sshll.u32 s1, $0x11  }
0xbb: {  	s0 =	sor.u32 s1, s0  }
0xbc: {  	s0 =	sadd.s32 $0x8F2B, s0  }
0xbd: {  	[sflag:s0] =	ssyncadd.remote.s32 $0x1  }
0xbe: {  	_ =	sfence.sel $0xFFFF  }
0xbf: {  	[dreg:$0x0] =	wrdreg $0xFFFFFFFF;
	(pc) =	sbr.abs _section_cstart, $3  }
0xc0: {  	[dreg:$0x1] =	wrdreg $0xFFFFFFFF  }
0xc1: {  	_ =	task.clear_ibuf [dreg:s7], $0x2FFFF;
	_ =	strace $0x9FFFFFFF  }
0xc2: {  	(tm) =	ssettm $0x7FFFFFFF  }
0xc3: {  	_ =	shalt  }
tec
execute0_lowered:
.L_overlay_start_1:
0x0: {  	(tag) =	ssettag $0x1  }
0x1: {  	s1 =	srdreg.scid;
	s0 =	stileid.u32  }
0x2: {  	s29 =	sand.u32 $0x1, s1;
	s31 =	sshll.u32 s0, $0x1  }
0x3: {  	s5 =	rddreg [dreg:$0x0];
	s11 =	sor.u32 s29, s31  }
0x4: {  	s13 =	rddreg [dreg:$0x1];
	s3 =	smul.u32 $0x320, s11  }
0x5: {  	s2 =	simm.s32 $0x0;
	s1 =	rddreg [dreg:$0x2]  }
0x6: {  	[smem:$0x7FF] =	sst s2;
	s3 =	sadd.s32 s3, s5  }
0x7: {  	_ =	strace $0x80000047;
	s4 =	sadd.s32 $0xE00, s3;
	s3 =	simm.s32 $0x3  }
0x8: {  	[tilespmem:s2], [sflag:$0x3] =	stream.linear.gather [hbm4b:s4+s2], $0x1900, $0x38;
	[tilespmem:$0x15900] =	vst v63  }
0x9: {  	_ =	swait.ge [sflag:s3], $0x1900  }
0xa: {  	s6 =	simm.s32 $0x280;
	[sflag:s3] =	ssyncset.done $0x0  }
0xb: {  	s7 =	simm.s32 $0x1900;
	s5 =	sadd.s32 $0xF49600, s5;
	[sflag:s3] =	ssyncadd.s32 $0xFFFFE700  }
0xc: {  	[tilespmem:s7], [sflag:$0x1] =	stream.indirect.gather [hbm4b:s5+s6], $0x40, s2, s6, $0xb8;
	[tilespmem:$0x15900] =	vst v63  }
0xd: {  	s8 =	simm.s32 $0xB900;
	s9 =	simm.s32 $0x1  }
0xe: {  	[tilespmem:s8], [sflag:$0x2] =	stream.indirect.gather [hbm4b:s5+s6], $0x40, s6, s6, $0xb8;
	[tilespmem:$0x15900] =	vst v63  }
0xf: {  	s10 =	smul.u32 $0xC800, s11;
	_ =	swait.ge [sflag:s9], $0xA000  }
0x10: {  	[sflag:s9] =	ssyncset.done $0x0  }
0x11: {  	s10 =	sadd.s32 s13, s10;
	[sflag:s9] =	ssyncadd.s32 $0xFFFF6000  }
0x12: {  	[hbm4b:s10+s2] =	stream.linear.scatter [tilespmem:s7], [sflag:$0x3], $0xA000, $0x38;
	[tilespmem:$0x15900] =	vst v63  }
0x13: {  	_ =	swait.ge [sflag:s3], $0xA000  }
0x14: {  	s12 =	simm.s32 $0x2;
	[sflag:s3] =	ssyncset.done $0x0  }
0x15: {  	s14 =	smul.u32 $0x64000, s11;
	s11 =	simm.s32 $0x500;
	[sflag:s3] =	ssyncadd.s32 $0xFFFF6000  }
0x16: {  	[tilespmem:s7], [sflag:$0x1] =	stream.indirect.gather [hbm4b:s5+s6], $0x40, s11, s6, $0xb8;
	[tilespmem:$0x15900] =	vst v63  }
0x17: {  	s14 =	sshrl.u32 s14, $0x3;
	_ =	swait.ge [sflag:s12], $0xA000  }
0x18: {  	s30 =	sadd.s32 s13, s14;
	[sflag:s12] =	ssyncset.done $0x0  }
0x19: {  	s13 =	sadd.s32 $0x1400, s30;
	[sflag:s12] =	ssyncadd.s32 $0xFFFF6000  }
0x1a: {  	[hbm4b:s13+s2] =	stream.linear.scatter [tilespmem:s8], [sflag:$0x3], $0xA000, $0x38;
	[tilespmem:$0x15900] =	vst v63  }
0x1b: {  	_ =	swait.ge [sflag:s3], $0xA000  }
0x1c: {  	[sflag:s3] =	ssyncset.done $0x0  }
0x1d: {  	s14 =	simm.s32 $0x780;
	[sflag:s3] =	ssyncadd.s32 $0xFFFF6000  }
0x1e: {  	[tilespmem:s8], [sflag:$0x2] =	stream.indirect.gather [hbm4b:s5+s6], $0x40, s14, s6, $0xb8;
	[tilespmem:$0x15900] =	vst v63  }
0x1f: {  	_ =	swait.ge [sflag:s9], $0xA000  }
0x20: {  	[sflag:s9] =	ssyncset.done $0x0  }
0x21: {  	s15 =	sadd.s32 $0x2800, s30;
	[sflag:s9] =	ssyncadd.s32 $0xFFFF6000  }
0x22: {  	[hbm4b:s15+s2] =	stream.linear.scatter [tilespmem:s7], [sflag:$0x3], $0xA000, $0x38;
	[tilespmem:$0x15900] =	vst v63  }
0x23: {  	_ =	swait.ge [sflag:s3], $0xA000  }
0x24: {  	[sflag:s3] =	ssyncset.done $0x0  }
0x25: {  	s16 =	simm.s32 $0xA00;
	[sflag:s3] =	ssyncadd.s32 $0xFFFF6000  }
0x26: {  	[tilespmem:s7], [sflag:$0x1] =	stream.indirect.gather [hbm4b:s5+s6], $0x40, s16, s6, $0xb8;
	[tilespmem:$0x15900] =	vst v63  }
0x27: {  	_ =	swait.ge [sflag:s12], $0xA000  }
0x28: {  	[sflag:s12] =	ssyncset.done $0x0  }
0x29: {  	s17 =	sadd.s32 $0x3C00, s30;
	[sflag:s12] =	ssyncadd.s32 $0xFFFF6000  }
0x2a: {  	[hbm4b:s17+s2] =	stream.linear.scatter [tilespmem:s8], [sflag:$0x3], $0xA000, $0x38;
	[tilespmem:$0x15900] =	vst v63  }
0x2b: {  	_ =	swait.ge [sflag:s3], $0xA000  }
0x2c: {  	[sflag:s3] =	ssyncset.done $0x0  }
0x2d: {  	s18 =	simm.s32 $0xC80;
	[sflag:s3] =	ssyncadd.s32 $0xFFFF6000  }
0x2e: {  	[tilespmem:s8], [sflag:$0x2] =	stream.indirect.gather [hbm4b:s5+s6], $0x40, s18, s6, $0xb8;
	[tilespmem:$0x15900] =	vst v63  }
0x2f: {  	_ =	swait.ge [sflag:s9], $0xA000  }
0x30: {  	[sflag:s9] =	ssyncset.done $0x0  }
0x31: {  	s19 =	sadd.s32 $0x5000, s30;
	[sflag:s9] =	ssyncadd.s32 $0xFFFF6000  }
0x32: {  	[hbm4b:s19+s2] =	stream.linear.scatter [tilespmem:s7], [sflag:$0x3], $0xA000, $0x38;
	[tilespmem:$0x15900] =	vst v63  }
0x33: {  	_ =	swait.ge [sflag:s3], $0xA000  }
0x34: {  	[sflag:s3] =	ssyncset.done $0x0  }
0x35: {  	s20 =	simm.s32 $0xF00;
	[sflag:s3] =	ssyncadd.s32 $0xFFFF6000  }
0x36: {  	[tilespmem:s7], [sflag:$0x1] =	stream.indirect.gather [hbm4b:s5+s6], $0x40, s20, s6, $0xb8;
	[tilespmem:$0x15900] =	vst v63  }
0x37: {  	_ =	swait.ge [sflag:s12], $0xA000  }
0x38: {  	[sflag:s12] =	ssyncset.done $0x0  }
0x39: {  	s21 =	sadd.s32 $0x6400, s30;
	[sflag:s12] =	ssyncadd.s32 $0xFFFF6000  }
0x3a: {  	[hbm4b:s21+s2] =	stream.linear.scatter [tilespmem:s8], [sflag:$0x3], $0xA000, $0x38;
	[tilespmem:$0x15900] =	vst v63  }
0x3b: {  	_ =	swait.ge [sflag:s3], $0xA000  }
0x3c: {  	[sflag:s3] =	ssyncset.done $0x0  }
0x3d: {  	s22 =	simm.s32 $0x1180;
	[sflag:s3] =	ssyncadd.s32 $0xFFFF6000  }
0x3e: {  	[tilespmem:s8], [sflag:$0x2] =	stream.indirect.gather [hbm4b:s5+s6], $0x40, s22, s6, $0xb8;
	[tilespmem:$0x15900] =	vst v63  }
0x3f: {  	_ =	swait.ge [sflag:s9], $0xA000  }
0x40: {  	[sflag:s9] =	ssyncset.done $0x0  }
0x41: {  	s23 =	sadd.s32 $0x7800, s30;
	[sflag:s9] =	ssyncadd.s32 $0xFFFF6000  }
0x42: {  	[hbm4b:s23+s2] =	stream.linear.scatter [tilespmem:s7], [sflag:$0x3], $0xA000, $0x38;
	[tilespmem:$0x15900] =	vst v63  }
0x43: {  	_ =	swait.ge [sflag:s3], $0xA000  }
0x44: {  	[sflag:s3] =	ssyncset.done $0x0  }
0x45: {  	s24 =	simm.s32 $0x1400;
	[sflag:s3] =	ssyncadd.s32 $0xFFFF6000  }
0x46: {  	[tilespmem:s7], [sflag:$0x1] =	stream.indirect.gather [hbm4b:s5+s6], $0x40, s24, s6, $0xb8;
	[tilespmem:$0x15900] =	vst v63  }
0x47: {  	_ =	swait.ge [sflag:s12], $0xA000  }
0x48: {  	[sflag:s12] =	ssyncset.done $0x0  }
0x49: {  	s25 =	sadd.s32 $0x8C00, s30;
	[sflag:s12] =	ssyncadd.s32 $0xFFFF6000  }
0x4a: {  	[hbm4b:s25+s2] =	stream.linear.scatter [tilespmem:s8], [sflag:$0x3], $0xA000, $0x38;
	[tilespmem:$0x15900] =	vst v63  }
0x4b: {  	_ =	swait.ge [sflag:s3], $0xA000  }
0x4c: {  	[sflag:s3] =	ssyncset.done $0x0  }
0x4d: {  	s26 =	simm.s32 $0x1680;
	[sflag:s3] =	ssyncadd.s32 $0xFFFF6000  }
0x4e: {  	[tilespmem:s8], [sflag:$0x2] =	stream.indirect.gather [hbm4b:s5+s6], $0x40, s26, s6, $0xb8;
	[tilespmem:$0x15900] =	vst v63  }
0x4f: {  	_ =	swait.ge [sflag:s9], $0xA000  }
0x50: {  	[sflag:s9] =	ssyncset.done $0x0  }
0x51: {  	s29 =	ssub.s32 $0x2, s29;
	s28 =	sadd.s32 $0xA000, s30;
	[sflag:s9] =	ssyncadd.s32 $0xFFFF6000  }
0x52: {  	[hbm4b:s28+s2] =	stream.linear.scatter [tilespmem:s7], [sflag:$0x3], $0xA000, $0x38;
	[tilespmem:$0x15900] =	vst v63  }
0x53: {  	s31 =	sshrl.u32 s29, $0x1;
	_ =	swait.ge [sflag:s3], $0xA000  }
0x54: {  	s31 =	ssub.s32 s29, s31;
	[sflag:s3] =	ssyncset.done $0x0  }
0x55: {  	s29 =	sadd.s32 $0xB400, s30;
	s30 =	smax.u32 s31, $0x1;
	[sflag:s3] =	ssyncadd.s32 $0xFFFF6000  }
0x56: {  	p0 =	sne.s32 s30, $0x1;
	_ =	swait.ge [sflag:s12], $0xA000  }
.Ltmp0:
0x57: {  	[sflag:s12] =	ssyncset.done $0x0;
	(pc) =	sbr.rel @!p0 .LBB2_2-.Ltmp0, $4  }
0x58: {  	[sflag:s12] =	ssyncadd.s32 $0xFFFF6000  }
0x59: {  	[hbm4b:s29+s2] =	stream.linear.scatter [tilespmem:s8], [sflag:$0x3], $0xA000, $0x38;
	[tilespmem:$0x15900] =	vst v63  }
0x5a: {  	_ =	swait.ge [sflag:s3], $0xA000  }
0x5b: {  	s30 =	sadd.s32 $0xFFFFFFFF, s30;
	[sflag:s3] =	ssyncset.done $0x0  }
.LBB2_1:
0x5c: {  	p0 =	sne.s32 s30, $0x1;
	s30 =	sadd.s32 $0xFFFFFFFF, s30;
	[sflag:s3] =	ssyncadd.s32 $0xFFFF6000  }
0x5d: {  	[tilespmem:s2], [sflag:$0x3] =	stream.linear.gather [hbm4b:s4+s2], $0x1900, $0x38;
	[tilespmem:$0x15900] =	vst v63  }
0x5e: {  	_ =	swait.ge [sflag:s3], $0x1900  }
0x5f: {  	[sflag:s3] =	ssyncset.done $0x0  }
0x60: {  	[sflag:s3] =	ssyncadd.s32 $0xFFFFE700  }
0x61: {  	[tilespmem:s7], [sflag:$0x1] =	stream.indirect.gather [hbm4b:s5+s6], $0x40, s2, s6, $0xb8;
	[tilespmem:$0x15900] =	vst v63  }
0x62: {  	_ = 	snop  }
0x63: {  	[tilespmem:s8], [sflag:$0x2] =	stream.indirect.gather [hbm4b:s5+s6], $0x40, s6, s6, $0xb8;
	[tilespmem:$0x15900] =	vst v63  }
0x64: {  	_ =	swait.ge [sflag:s9], $0xA000  }
0x65: {  	[sflag:s9] =	ssyncset.done $0x0  }
0x66: {  	[sflag:s9] =	ssyncadd.s32 $0xFFFF6000  }
0x67: {  	[hbm4b:s10+s2] =	stream.linear.scatter [tilespmem:s7], [sflag:$0x3], $0xA000, $0x38;
	[tilespmem:$0x15900] =	vst v63  }
0x68: {  	_ =	swait.ge [sflag:s3], $0xA000  }
0x69: {  	[sflag:s3] =	ssyncset.done $0x0  }
0x6a: {  	[sflag:s3] =	ssyncadd.s32 $0xFFFF6000  }
0x6b: {  	[tilespmem:s7], [sflag:$0x1] =	stream.indirect.gather [hbm4b:s5+s6], $0x40, s11, s6, $0xb8;
	[tilespmem:$0x15900] =	vst v63  }
0x6c: {  	_ =	swait.ge [sflag:s12], $0xA000  }
0x6d: {  	[sflag:s12] =	ssyncset.done $0x0  }
0x6e: {  	[sflag:s12] =	ssyncadd.s32 $0xFFFF6000  }
0x6f: {  	[hbm4b:s13+s2] =	stream.linear.scatter [tilespmem:s8], [sflag:$0x3], $0xA000, $0x38;
	[tilespmem:$0x15900] =	vst v63  }
0x70: {  	_ =	swait.ge [sflag:s3], $0xA000  }
0x71: {  	[sflag:s3] =	ssyncset.done $0x0  }
0x72: {  	[sflag:s3] =	ssyncadd.s32 $0xFFFF6000  }
0x73: {  	[tilespmem:s8], [sflag:$0x2] =	stream.indirect.gather [hbm4b:s5+s6], $0x40, s14, s6, $0xb8;
	[tilespmem:$0x15900] =	vst v63  }
0x74: {  	_ =	swait.ge [sflag:s9], $0xA000  }
0x75: {  	[sflag:s9] =	ssyncset.done $0x0  }
0x76: {  	[sflag:s9] =	ssyncadd.s32 $0xFFFF6000  }
0x77: {  	[hbm4b:s15+s2] =	stream.linear.scatter [tilespmem:s7], [sflag:$0x3], $0xA000, $0x38;
	[tilespmem:$0x15900] =	vst v63  }
0x78: {  	_ =	swait.ge [sflag:s3], $0xA000  }
0x79: {  	[sflag:s3] =	ssyncset.done $0x0  }
0x7a: {  	[sflag:s3] =	ssyncadd.s32 $0xFFFF6000  }
0x7b: {  	[tilespmem:s7], [sflag:$0x1] =	stream.indirect.gather [hbm4b:s5+s6], $0x40, s16, s6, $0xb8;
	[tilespmem:$0x15900] =	vst v63  }
0x7c: {  	_ =	swait.ge [sflag:s12], $0xA000  }
0x7d: {  	[sflag:s12] =	ssyncset.done $0x0  }
0x7e: {  	[sflag:s12] =	ssyncadd.s32 $0xFFFF6000  }
0x7f: {  	[hbm4b:s17+s2] =	stream.linear.scatter [tilespmem:s8], [sflag:$0x3], $0xA000, $0x38;
	[tilespmem:$0x15900] =	vst v63  }
0x80: {  	_ =	swait.ge [sflag:s3], $0xA000  }
0x81: {  	[sflag:s3] =	ssyncset.done $0x0  }
0x82: {  	[sflag:s3] =	ssyncadd.s32 $0xFFFF6000  }
0x83: {  	[tilespmem:s8], [sflag:$0x2] =	stream.indirect.gather [hbm4b:s5+s6], $0x40, s18, s6, $0xb8;
	[tilespmem:$0x15900] =	vst v63  }
0x84: {  	_ =	swait.ge [sflag:s9], $0xA000  }
0x85: {  	[sflag:s9] =	ssyncset.done $0x0  }
0x86: {  	[sflag:s9] =	ssyncadd.s32 $0xFFFF6000  }
0x87: {  	[hbm4b:s19+s2] =	stream.linear.scatter [tilespmem:s7], [sflag:$0x3], $0xA000, $0x38;
	[tilespmem:$0x15900] =	vst v63  }
0x88: {  	_ =	swait.ge [sflag:s3], $0xA000  }
0x89: {  	[sflag:s3] =	ssyncset.done $0x0  }
0x8a: {  	[sflag:s3] =	ssyncadd.s32 $0xFFFF6000  }
0x8b: {  	[tilespmem:s7], [sflag:$0x1] =	stream.indirect.gather [hbm4b:s5+s6], $0x40, s20, s6, $0xb8;
	[tilespmem:$0x15900] =	vst v63  }
0x8c: {  	_ =	swait.ge [sflag:s12], $0xA000  }
0x8d: {  	[sflag:s12] =	ssyncset.done $0x0  }
0x8e: {  	[sflag:s12] =	ssyncadd.s32 $0xFFFF6000  }
0x8f: {  	[hbm4b:s21+s2] =	stream.linear.scatter [tilespmem:s8], [sflag:$0x3], $0xA000, $0x38;
	[tilespmem:$0x15900] =	vst v63  }
0x90: {  	_ =	swait.ge [sflag:s3], $0xA000  }
0x91: {  	[sflag:s3] =	ssyncset.done $0x0  }
0x92: {  	[sflag:s3] =	ssyncadd.s32 $0xFFFF6000  }
0x93: {  	[tilespmem:s8], [sflag:$0x2] =	stream.indirect.gather [hbm4b:s5+s6], $0x40, s22, s6, $0xb8;
	[tilespmem:$0x15900] =	vst v63  }
0x94: {  	_ =	swait.ge [sflag:s9], $0xA000  }
0x95: {  	[sflag:s9] =	ssyncset.done $0x0  }
0x96: {  	[sflag:s9] =	ssyncadd.s32 $0xFFFF6000  }
0x97: {  	[hbm4b:s23+s2] =	stream.linear.scatter [tilespmem:s7], [sflag:$0x3], $0xA000, $0x38;
	[tilespmem:$0x15900] =	vst v63  }
0x98: {  	_ =	swait.ge [sflag:s3], $0xA000  }
0x99: {  	[sflag:s3] =	ssyncset.done $0x0  }
0x9a: {  	[sflag:s3] =	ssyncadd.s32 $0xFFFF6000  }
0x9b: {  	[tilespmem:s7], [sflag:$0x1] =	stream.indirect.gather [hbm4b:s5+s6], $0x40, s24, s6, $0xb8;
	[tilespmem:$0x15900] =	vst v63  }
0x9c: {  	_ =	swait.ge [sflag:s12], $0xA000  }
0x9d: {  	[sflag:s12] =	ssyncset.done $0x0  }
0x9e: {  	[sflag:s12] =	ssyncadd.s32 $0xFFFF6000  }
0x9f: {  	[hbm4b:s25+s2] =	stream.linear.scatter [tilespmem:s8], [sflag:$0x3], $0xA000, $0x38;
	[tilespmem:$0x15900] =	vst v63  }
0xa0: {  	_ =	swait.ge [sflag:s3], $0xA000  }
0xa1: {  	[sflag:s3] =	ssyncset.done $0x0  }
0xa2: {  	[sflag:s3] =	ssyncadd.s32 $0xFFFF6000  }
0xa3: {  	[tilespmem:s8], [sflag:$0x2] =	stream.indirect.gather [hbm4b:s5+s6], $0x40, s26, s6, $0xb8;
	[tilespmem:$0x15900] =	vst v63  }
0xa4: {  	_ =	swait.ge [sflag:s9], $0xA000  }
0xa5: {  	[sflag:s9] =	ssyncset.done $0x0  }
0xa6: {  	[sflag:s9] =	ssyncadd.s32 $0xFFFF6000  }
0xa7: {  	[hbm4b:s28+s2] =	stream.linear.scatter [tilespmem:s7], [sflag:$0x3], $0xA000, $0x38;
	[tilespmem:$0x15900] =	vst v63  }
0xa8: {  	_ =	swait.ge [sflag:s3], $0xA000  }
0xa9: {  	[sflag:s3] =	ssyncset.done $0x0  }
0xaa: {  	[sflag:s3] =	ssyncadd.s32 $0xFFFF6000  }
0xab: {  	_ =	swait.ge [sflag:s12], $0xA000  }
.Ltmp1:
0xac: {  	[sflag:s12] =	ssyncset.done $0x0;
	(pc) =	sbr.rel @p0 .LBB2_1-.Ltmp1, $4  }
0xad: {  	[sflag:s12] =	ssyncadd.s32 $0xFFFF6000  }
0xae: {  	[hbm4b:s29+s2] =	stream.linear.scatter [tilespmem:s8], [sflag:$0x3], $0xA000, $0x38;
	[tilespmem:$0x15900] =	vst v63  }
0xaf: {  	_ =	swait.ge [sflag:s3], $0xA000  }
0xb0: {  	[sflag:s3] =	ssyncset.done $0x0  }
.LBB2_2:
0xb1: {  	[sflag:s3] =	ssyncadd.s32 $0xFFFF6000  }
0xb2: {  	_ =	sfence.sel $0x180000  }
0xb3: {  	[bflag:$0x0] =	sbarrier.arrive $0xFFFF  }
0xb4: {  	p0 =	sne.s32 s0, $0x0;
	_ =	strace $0x90000047  }
0xb5: {  	s0 =	sadd.s32 @!p0 $0x100000, s1;
	[bflag:$0x2] =	sbarrier.arrive $0xFFFF  }
0xb6: {  	[sflag:s0] =	ssyncadd.tile.s32 @!p0 $0x1;
	_ =	shalt  }
.Lfunc_end2:
_tile_overlayer_lowered:
.L_overlay_start_2:
0xb7: {  	(tag) =	ssettag $0x2  }
0xb8: {  	s0 =	rddreg [dreg:$0x0];
	s2 =	stileid.u32  }
0xb9: {  	s1 =	rddreg [dreg:$0x1];
	p0 =	sne.s32 s2, $0x0  }
0xba: {  	s3 =	rddreg [dreg:$0x2];
	[bflag:$0x3] =	sbarrier.arrive $0xFFFF;
	s2 =	simm.s32 @!p0 $0x1C03  }
0xbb: {  	[timem:s3], [sflag:s2] =	dma.local @!p0 [hbm:s0], s1  }
0xbc: {  	s0 =	simm.s32 @!p0 $0x3  }
0xbd: {  	_ =	swait.ge @!p0 [sflag:s0], s1  }
0xbe: {  	s1 =	ssub.s32 @!p0 $0x0, s1;
	[sflag:s0] =	ssyncset.done @!p0 $0x0  }
0xbf: {  	[sflag:s0] =	ssyncadd.s32 @!p0 s1  }
0xc0: {  	[bflag:$0x3] =	sbarrier.arrive $0xFFFF  }
0xc1: {  	_ =	shalt  }

// kernel: kernel.9.cloned.1.call-start
scs
__scs_entry_jumppad:
0x0: {  	(pc) =	sbr.rel $0x88, $3  }
0x1: {  	(tag) =	ssettag $0x0;
	lr =	simm.s32 $0x1  }
0x2: {  	[smem:$0x3F9D] =	sst lr;
	_ =	strace $0xD0000000  }
0x3: {  	_ = 	snop  }
0x4: {  	_ = 	snop  }
0x5: {  	_ = 	snop  }
0x6: {  	_ = 	snop  }
0x7: {  	_ = 	snop  }
__scs_overlays_trampoline_lowered:
0x8: {  	[smem:$0x3FAC] =	sst s0  }
0x9: {  	[smem:$0x3FAD] =	sst s1  }
0xa: {  	[smem:$0x3FAE] =	sst s2  }
0xb: {  	[smem:$0x3FAF] =	sst s3  }
0xc: {  	[smem:$0x3FB0] =	sst s4  }
0xd: {  	[smem:$0x3FB1] =	sst s5  }
0xe: {  	[smem:$0x3FB2] =	sst s6  }
0xf: {  	[smem:$0x3FB3] =	sst s7  }
0x10: {  	[smem:$0x3FB4] =	sst s8  }
0x11: {  	[smem:$0x3FB5] =	sst s9;
	s0 =	simm.s32 @!p0 $0x0  }
0x12: {  	s1 =	sld [smem:$0x3F9B];
	s0 =	simm.s32 @p0 $0x1  }
0x13: {  	[smem:$0x3FB6] =	sst s0;
	s0 =	simm.s32 @!p1 $0x0  }
0x14: {  	s2 =	sld [smem:$0x3F9A];
	s0 =	simm.s32 @p1 $0x1  }
0x15: {  	[smem:$0x3FB7] =	sst s0;
	s0 =	simm.s32 @!p2 $0x0  }
0x16: {  	s3 =	sld [smem:$0x3FDB];
	s0 =	simm.s32 @p2 $0x1  }
0x17: {  	s4 =	simm.s32 $0x1BF5;
	[smem:$0x3FB9] =	sst s0  }
0x18: {  	s0 =	sld [smem:$0x3F9C];
	_ =	swait.ge [sflag:s4], $0x0  }
0x19: {  	s7 =	sld [smem:$0x3F9D]  }
0x1a: {  	s8 =	sadd.s32 $0xFFFFE003, lr  }
0x1b: {  	s9 =	sadd.s32 $0xFFFFFEF7, lr;
	s5 =	simm.s32 $0xFFFFFFFF;
	p2 =	slt.u32 s8, $0xFFFFF086  }
0x1c: {  	p1 =	slt.u32 s9, $0xF7A;
	s5 =	simm.s32 @!p2 $0x0  }
0x1d: {  	s5 =	simm.s32 @p1 $0x1;
	p0 =	seq.s32 s7, s2  }
0x1e: {  	s7 =	smul.u32 @!p0 $0xF7A, s2;
	p2 =	seq.s32 @!p0 s5, $0x0  }
0x1f: {  	s9 =	smul.u32 $0xF7A, s1;
	s8 =	simm.s32 @!p0 $0x1BF5;
	p2 =	por !p2, p0  }
0x20: {  	[sflag:s8] =	ssyncset.s32 @!p0 $0xFFFFF086;
	s6 =	sadd.s32 @!p0 s3, s7;
	s7 =	simm.s32 @!p0 $0x108  }
0x21: {  	s3 =	sadd.s32 s3, s9;
	s6 =	sadd.s32 @!p0 $0x88, s6;
	s7 =	simm.s32 @p2 $0x1082  }
0x22: {  	[simem:s7], [sflag:s8] =	dma.local @!p0 [hbm:s6], $0xF7A  }
0x23: {  	s9 =	sor.u32 $0xD0000000, s2;
	s6 =	simm.s32 $0x108;
	_ =	swait.ge @!p0 [sflag:s8], $0x0  }
0x24: {  	s3 =	sadd.s32 $0x88, s3;
	s6 =	simm.s32 @!p1 $0x1082;
	[sflag:s4] =	ssyncset.s32 $0xFFFFF086  }
0x25: {  	[simem:s6], [sflag:s4] =	dma.local [hbm:s3], $0xF7A  }
0x26: {  	[smem:$0x3F9D] =	sst s1;
	(tag) =	ssettag s2;
	_ =	strace s9  }
0x27: {  	s1 =	sld [smem:$0x3FAD]  }
0x28: {  	s2 =	sld [smem:$0x3FAE]  }
0x29: {  	s4 =	sld [smem:$0x3FB0]  }
0x2a: {  	p0 =	seq.s32 s5, $0x0;
	s5 =	sld [smem:$0x3FB1]  }
0x2b: {  	s6 =	sld [smem:$0x3FB2]  }
0x2c: {  	s7 =	sld [smem:$0x3FB3]  }
0x2d: {  	s3 =	simm.s32 $0x108;
	s8 =	sld [smem:$0x3FB4]  }
0x2e: {  	s3 =	simm.s32 @!p0 $0x1082;
	s9 =	sld [smem:$0x3FB5]  }
0x2f: {  	lr =	sadd.s32 s0, s3;
	s0 =	sld [smem:$0x3FAC]  }
0x30: {  	s3 =	sld [smem:$0x3FAF]  }
0x31: {  	[smem:$0x3FB8] =	sst s10  }
0x32: {  	s10 =	sld [smem:$0x3FB6];
	_ =	sdelay $0x3  }
0x33: {  	p0 =	seq.s32 s10, $0x1;
	s10 =	sld [smem:$0x3FB8];
	_ =	sdelay $0x3  }
0x34: {  	[smem:$0x3FB8] =	sst s10  }
0x35: {  	s10 =	sld [smem:$0x3FB7];
	_ =	sdelay $0x3  }
0x36: {  	p1 =	seq.s32 s10, $0x1;
	s10 =	sld [smem:$0x3FB8];
	_ =	sdelay $0x3  }
0x37: {  	[smem:$0x3FB8] =	sst s10  }
0x38: {  	s10 =	sld [smem:$0x3FB9]  }
0x39: {  	_ = 	snop;
	(pc) =	sbr.ind lr, $3  }
0x3a: {  	_ = 	snop  }
0x3b: {  	_ = 	snop  }
0x3c: {  	p2 =	seq.s32 s10, $0x1;
	s10 =	sld [smem:$0x3FB8]  }
0x3d: {  	_ =	shalt  }
0x3e: {  	_ =	shalt  }
0x3f: {  	_ =	shalt  }
0x40: {  	_ =	shalt  }
0x41: {  	_ =	shalt  }
0x42: {  	_ =	shalt  }
0x43: {  	_ =	shalt  }
0x44: {  	_ =	shalt  }
0x45: {  	_ =	shalt  }
0x46: {  	_ =	shalt  }
0x47: {  	_ =	shalt  }
0x48: {  	_ =	shalt  }
0x49: {  	_ =	shalt  }
0x4a: {  	_ =	shalt  }
0x4b: {  	_ =	shalt  }
0x4c: {  	_ =	shalt  }
0x4d: {  	_ =	shalt  }
0x4e: {  	_ =	shalt  }
0x4f: {  	_ =	shalt  }
0x50: {  	_ =	shalt  }
0x51: {  	_ =	shalt  }
0x52: {  	_ =	shalt  }
0x53: {  	_ =	shalt  }
0x54: {  	_ =	shalt  }
0x55: {  	_ =	shalt  }
0x56: {  	_ =	shalt  }
0x57: {  	_ =	shalt  }
0x58: {  	_ =	shalt  }
0x59: {  	_ =	shalt  }
0x5a: {  	_ =	shalt  }
0x5b: {  	_ =	shalt  }
0x5c: {  	_ =	shalt  }
0x5d: {  	_ =	shalt  }
0x5e: {  	_ =	shalt  }
0x5f: {  	_ =	shalt  }
0x60: {  	_ =	shalt  }
0x61: {  	_ =	shalt  }
0x62: {  	_ =	shalt  }
0x63: {  	_ =	shalt  }
0x64: {  	_ =	shalt  }
0x65: {  	_ =	shalt  }
0x66: {  	_ =	shalt  }
0x67: {  	_ =	shalt  }
0x68: {  	_ =	shalt  }
0x69: {  	_ =	shalt  }
0x6a: {  	_ =	shalt  }
0x6b: {  	_ =	shalt  }
0x6c: {  	_ =	shalt  }
0x6d: {  	_ =	shalt  }
0x6e: {  	_ =	shalt  }
0x6f: {  	_ =	shalt  }
0x70: {  	_ =	shalt  }
0x71: {  	_ =	shalt  }
0x72: {  	_ =	shalt  }
0x73: {  	_ =	shalt  }
0x74: {  	_ =	shalt  }
0x75: {  	_ =	shalt  }
0x76: {  	_ =	shalt  }
0x77: {  	_ =	shalt  }
0x78: {  	_ =	shalt  }
0x79: {  	_ =	shalt  }
0x7a: {  	_ =	shalt  }
0x7b: {  	_ =	shalt  }
0x7c: {  	_ =	shalt  }
0x7d: {  	_ =	shalt  }
0x7e: {  	_ =	shalt  }
0x7f: {  	_ =	shalt  }
0x80: {  	_ =	shalt  }
0x81: {  	_ =	shalt  }
0x82: {  	_ =	shalt  }
0x83: {  	_ =	shalt  }
0x84: {  	_ =	shalt  }
0x85: {  	_ =	shalt  }
0x86: {  	_ =	shalt  }
0x87: {  	_ =	shalt  }
.Lfunc_end0:
.L_simem_size_0:
called_computation.2_lowered:
.L_overlay_start_0:
0x88: {  	s2 =	sld [smem:$0x3FD9]  }
0x89: {  	s3 =	sld [smem:$0x3FFE];
	_ =	sdelay $0x1  }
0x8a: {  	s1 =	srdreg.scid  }
0x8b: {  	s0 =	sand.u32 $0x1, s1  }
0x8c: {  	s17 =	sshll.u32 s0, $0xA;
	s2 =	sadd.s32 s3, s2  }
0x8d: {  	s2 =	sadd.s32 s2, s17  }
0x8e: {  	[smem:$0x3FC4] =	sst s2  }
0x8f: {  	_ = 	snop  }
0x90: {  	(tm) =	ssettm $0x1  }
0x91: {  	s18 =	sld [smem:$0x3FFB];
	_ =	sdelay $0x3  }
0x92: {  	_ =	strace s18  }
0x93: {  	s2 =	sld [smem:$0x3FFC];
	_ =	sdelay $0x3  }
0x94: {  	_ =	strace s2  }
0x95: {  	s2 =	sld [smem:$0x3FFD];
	_ =	sdelay $0x3  }
0x96: {  	_ =	strace s2  }
0x97: {  	_ =	strace $0x8FFFFFFF  }
0x98: {  	s19 =	sld [smem:$0x3FDB];
	_ =	sdelay $0x1  }
0x99: {  	s20 =	simm.s32 $_scs_section_size  }
0x9a: {  	s4 =	simm.s32 $_size__tile_overlayer_lowered;
	s5 =	simm.s32 $_tile_overlayer_lowered  }
0x9b: {  	s6 =	simm.s32 $0x1BFF;
	s21 =	sshll.u32 s5, $0x1;
	s3 =	sadd.s32 s20, s19  }
0x9c: {  	s22 =	simm.s32 $0x0;
	s4 =	sshll.u32 s4, $0x1;
	s5 =	sadd.s32 s21, s3  }
0x9d: {  	[timem:s22], [sflag:s6] =	dma.local [hbm:s5], s4  }
0x9e: {  	_ =	swait.ge [sflag:s6], s4  }
0x9f: {  	s4 =	ssub.s32 $0x0, s4;
	[sflag:s6] =	ssyncset.done $0x0  }
0xa0: {  	[sflag:s6] =	ssyncadd.s32 s4;
	_ =	sdelay $0x1  }
0xa1: {  	s23 =	simm.s32 $0x1B8B  }
0xa2: {  	_ =	swait.ge [sflag:s23], $0x1  }
0xa3: {  	[sflag:s23] =	ssyncset.done $0x0  }
0xa4: {  	[sflag:s23] =	ssyncadd.s32 $0xFFFFFFFF  }
0xa5: {  	s4 =	sld [smem:$0x0]  }
0xa6: {  	s5 =	sand.u32 $0xFFFFFFFE, s1  }
0xa7: {  	p0 =	sne.s32 s1, s5  }
0xa8: {  	s5 =	sshll.u32 @p0 s5, $0xE  }
0xa9: {  	s5 =	sadd.s32 @p0 $0x11B8D, s5;
	s6 =	sshll.u32 @p0 s4, $0x11  }
0xaa: {  	s5 =	sor.u32 @p0 s6, s5  }
0xab: {  	[sflag:s5] =	ssyncadd.remote.s32 @p0 $0x1;
	_ =	sdelay $0x1  }
0xac: {  	s5 =	simm.s32 @p0 $0x1B8D  }
0xad: {  	_ =	swait.eq @p0 [sflag:s5], $0x1  }
0xae: {  	[sflag:s5] =	ssyncadd.s32 @p0 $0xFFFFFFFF  }
0xaf: {  	s6 =	sshll.u32 @!p0 s1, $0xE  }
0xb0: {  	s6 =	sor.u32 @!p0 $0x4000, s6;
	s5 =	simm.s32 @!p0 $0x1B8D  }
0xb1: {  	s4 =	sshll.u32 @!p0 s4, $0x11;
	s6 =	sadd.s32 @!p0 $0x11B8D, s6;
	_ =	swait.eq @!p0 [sflag:s5], $0x1  }
0xb2: {  	s4 =	sor.u32 @!p0 s4, s6;
	[sflag:s5] =	ssyncadd.s32 @!p0 $0xFFFFFFFF  }
0xb3: {  	s25 =	simm.s32 $0x1B8E;
	s24 =	sld [smem:$0x3FFE];
	[sflag:s4] =	ssyncadd.remote.s32 @!p0 $0x1  }
0xb4: {  	s26 =	simm.s32 $execute0_lowered;
	[smem:$0x3FD2] =	sst s25  }
0xb5: {  	s5 =	sshll.u32 s26, $0x1;
	_ =	strace $0x80000049;
	[dreg:$0x1] =	wrdreg $0xFFFFFFFF  }
0xb6: {  	s28 =	simm.s32 $_size_execute0_lowered;
	s3 =	sadd.s32 s3, s5;
	[dreg:$0x0] =	wrdreg $0x0  }
0xb7: {  	s5 =	sshll.u32 s28, $0x1;
	[dreg:$0x2] =	wrdreg s3  }
0xb8: {  	[dreg:$0x3] =	wrdreg s5  }
0xb9: {  	[dreg:$0x4] =	wrdreg $0xC0  }
0xba: {  	_ =	task [dreg:s22], $0x5FFFF  }
0xbb: {  	[dreg:$0x1] =	wrdreg $0xFFFFFFFF  }
0xbc: {  	[dreg:$0x0] =	wrdreg $0x60  }
0xbd: {  	[dreg:$0x2] =	wrdreg s24  }
0xbe: {  	[dreg:$0x3] =	wrdreg $0xA  }
0xbf: {  	_ =	task.clear_ibuf [dreg:s22], $0x4FFFF;
	_ =	strace $0x90000049  }
0xc0: {  	s29 =	simm.s32 $0xA;
	_ =	strace $0x8000004B  }
0xc1: {  	_ =	swait.ge [sflag:s29], $0x1  }
0xc2: {  	[sflag:s29] =	ssyncadd.s32 $0xFFFFFFFF  }
0xc3: {  	_ =	strace $0x9000004B  }
0xc4: {  	_ =	sfence  }
0xc5: {  	s30 =	sld [smem:$0x0];
	_ =	sdelay $0x2  }
0xc6: {  	s31 =	sshll.u32 s1, $0xD;
	s1 =	sshrl.u32 s1, $0x2  }
0xc7: {  	s4 =	sand.u32 $0x4000, s31;
	s1 =	sadd.s32 s1, s30  }
0xc8: {  	s0 =	sor.u32 s4, s0;
	s1 =	sshll.u32 s1, $0x11  }
0xc9: {  	s0 =	sor.u32 s1, s0  }
0xca: {  	s0 =	sadd.s32 $0x8F2B, s0  }
0xcb: {  	[sflag:s0] =	ssyncadd.remote.s32 $0x1  }
0xcc: {  	_ =	sfence.sel $0xFFFF  }
0xcd: {  	[dreg:$0x0] =	wrdreg $0xFFFFFFFF;
	(pc) =	sbr.abs _section_cstart, $3  }
0xce: {  	[dreg:$0x1] =	wrdreg $0xFFFFFFFF  }
0xcf: {  	_ =	task.clear_ibuf [dreg:s22], $0x2FFFF;
	_ =	strace $0x9FFFFFFF  }
0xd0: {  	(tm) =	ssettm $0x7FFFFFFF  }
0xd1: {  	_ =	shalt  }
tec
execute0_lowered:
.L_overlay_start_1:
0x0: {  	(tag) =	ssettag $0x1  }
0x1: {  	s1 =	srdreg.scid;
	s0 =	stileid.u32  }
0x2: {  	s6 =	sand.u32 $0x1, s1;
	s30 =	sshll.u32 s0, $0x1  }
0x3: {  	s8 =	rddreg [dreg:$0x0];
	s7 =	sor.u32 s6, s30  }
0x4: {  	s2 =	simm.s32 $0x0;
	s1 =	rddreg [dreg:$0x1];
	s3 =	smul.u32 $0x320, s7  }
0x5: {  	[smem:$0x7FF] =	sst s2  }
0x6: {  	s5 =	sadd.s32 $0x16EA800, s8;
	_ =	strace $0x8000004A;
	s3 =	sadd.s32 s3, s8  }
0x7: {  	s9 =	ssub.s32 $0x2, s6;
	s4 =	sadd.s32 $0xE00, s3;
	s3 =	simm.s32 $0x1  }
0x8: {  	[tilespmem:s2], [sflag:$0x1] =	stream.linear.gather [hbm4b:s4+s2], $0x1900, $0x38;
	[tilespmem:$0x1A900] =	vst v63  }
0x9: {  	s7 =	smul.u32 $0x3200, s7;
	s10 =	sshrl.u32 s9, $0x1;
	_ =	swait.ge [sflag:s3], $0x1900  }
0xa: {  	s6 =	simm.s32 $0x1900;
	s31 =	ssub.s32 s9, s10;
	[sflag:s3] =	ssyncset.done $0x0  }
0xb: {  	s7 =	sadd.s32 s7, s8;
	s8 =	smax.u32 s31, $0x1;
	[sflag:s3] =	ssyncadd.s32 $0xFFFFE700  }
0xc: {  	[tilespmem:s6], [sflag:$0x1] =	stream.indirect.gather [hbm4b:s5+s6], $0x10, s2, s6, $0xb8;
	[tilespmem:$0x1A900] =	vst v63  }
0xd: {  	p0 =	sne.s32 s8, $0x1;
	_ =	swait.ge [sflag:s3], $0x19000  }
.Ltmp0:
0xe: {  	[sflag:s3] =	ssyncset.done $0x0;
	(pc) =	sbr.rel @!p0 .LBB2_2-.Ltmp0, $4  }
0xf: {  	s7 =	sadd.s32 $0x7200, s7;
	[sflag:s3] =	ssyncadd.s32 $0xFFFE7000  }
0x10: {  	[hbm4b:s7+s2] =	stream.linear.scatter [tilespmem:s6], [sflag:$0x1], $0x19000, $0x38;
	[tilespmem:$0x1A900] =	vst v63  }
0x11: {  	_ =	swait.ge [sflag:s3], $0x19000  }
0x12: {  	s8 =	sadd.s32 $0xFFFFFFFF, s8;
	[sflag:s3] =	ssyncset.done $0x0  }
.LBB2_1:
0x13: {  	p0 =	sne.s32 s8, $0x1;
	s8 =	sadd.s32 $0xFFFFFFFF, s8;
	[sflag:s3] =	ssyncadd.s32 $0xFFFE7000  }
0x14: {  	[tilespmem:s2], [sflag:$0x1] =	stream.linear.gather [hbm4b:s4+s2], $0x1900, $0x38;
	[tilespmem:$0x1A900] =	vst v63  }
0x15: {  	_ =	swait.ge [sflag:s3], $0x1900  }
0x16: {  	[sflag:s3] =	ssyncset.done $0x0  }
0x17: {  	[sflag:s3] =	ssyncadd.s32 $0xFFFFE700  }
0x18: {  	[tilespmem:s6], [sflag:$0x1] =	stream.indirect.gather [hbm4b:s5+s6], $0x10, s2, s6, $0xb8;
	[tilespmem:$0x1A900] =	vst v63  }
0x19: {  	_ =	swait.ge [sflag:s3], $0x19000  }
.Ltmp1:
0x1a: {  	[sflag:s3] =	ssyncset.done $0x0;
	(pc) =	sbr.rel @p0 .LBB2_1-.Ltmp1, $4  }
0x1b: {  	[sflag:s3] =	ssyncadd.s32 $0xFFFE7000  }
0x1c: {  	[hbm4b:s7+s2] =	stream.linear.scatter [tilespmem:s6], [sflag:$0x1], $0x19000, $0x38;
	[tilespmem:$0x1A900] =	vst v63  }
0x1d: {  	_ =	swait.ge [sflag:s3], $0x19000  }
0x1e: {  	[sflag:s3] =	ssyncset.done $0x0  }
.LBB2_2:
0x1f: {  	[sflag:s3] =	ssyncadd.s32 $0xFFFE7000  }
0x20: {  	_ =	sfence.sel $0x180000  }
0x21: {  	[bflag:$0x0] =	sbarrier.arrive $0xFFFF  }
0x22: {  	p0 =	sne.s32 s0, $0x0;
	_ =	strace $0x9000004A  }
0x23: {  	s0 =	sadd.s32 @!p0 $0x100000, s1;
	[bflag:$0x2] =	sbarrier.arrive $0xFFFF  }
0x24: {  	[sflag:s0] =	ssyncadd.tile.s32 @!p0 $0x1;
	_ =	shalt  }
.Lfunc_end2:
_tile_overlayer_lowered:
.L_overlay_start_2:
0x25: {  	(tag) =	ssettag $0x2  }
0x26: {  	s0 =	rddreg [dreg:$0x0];
	s2 =	stileid.u32  }
0x27: {  	s1 =	rddreg [dreg:$0x1];
	p0 =	sne.s32 s2, $0x0  }
0x28: {  	s3 =	rddreg [dreg:$0x2];
	[bflag:$0x3] =	sbarrier.arrive $0xFFFF;
	s2 =	simm.s32 @!p0 $0x1C01  }
0x29: {  	[timem:s3], [sflag:s2] =	dma.local @!p0 [hbm:s0], s1  }
0x2a: {  	s0 =	simm.s32 @!p0 $0x1  }
0x2b: {  	_ =	swait.ge @!p0 [sflag:s0], s1  }
0x2c: {  	s1 =	ssub.s32 @!p0 $0x0, s1;
	[sflag:s0] =	ssyncset.done @!p0 $0x0  }
0x2d: {  	[sflag:s0] =	ssyncadd.s32 @!p0 s1  }
0x2e: {  	[bflag:$0x3] =	sbarrier.arrive $0xFFFF  }
0x2f: {  	_ =	shalt  }

// kernel: sparse-core-data-format-call.cloned.1.call-start
scs
called_computation_lowered:
.L_overlay_start_0:
0x0: {  	s2 =	sld [smem:$0x3FD9]  }
0x1: {  	s3 =	sld [smem:$0x3FFE];
	_ =	sdelay $0x1  }
0x2: {  	s1 =	srdreg.scid  }
0x3: {  	s0 =	sand.u32 $0x1, s1  }
0x4: {  	s18 =	sshll.u32 s0, $0xA;
	s2 =	sadd.s32 s3, s2  }
0x5: {  	s2 =	sadd.s32 s2, s18  }
0x6: {  	[smem:$0x3FC4] =	sst s2  }
0x7: {  	_ = 	snop  }
0x8: {  	s2 =	sld [smem:$0x3FD0];
	(tm) =	ssettm $0x1  }
0x9: {  	s19 =	sld [smem:$0x3FFB];
	_ =	sdelay $0x3  }
0xa: {  	_ =	strace s19  }
0xb: {  	s3 =	sld [smem:$0x3FFC];
	_ =	sdelay $0x3  }
0xc: {  	_ =	strace s3  }
0xd: {  	s3 =	sld [smem:$0x3FFD];
	_ =	sdelay $0x3  }
0xe: {  	_ =	strace s3  }
0xf: {  	_ =	strace $0x8FFFFFFF  }
0x10: {  	s20 =	sld [smem:$0x3FDB];
	_ =	sdelay $0x1  }
0x11: {  	s4 =	simm.s32 $_scs_section_size  }
0x12: {  	s5 =	simm.s32 $_size__tile_overlayer_lowered;
	s6 =	simm.s32 $_tile_overlayer_lowered  }
0x13: {  	s23 =	simm.s32 $0x1BFF;
	s22 =	sshll.u32 s6, $0x1;
	s3 =	sadd.s32 s4, s20  }
0x14: {  	s7 =	simm.s32 $0x0;
	s21 =	sshll.u32 s5, $0x1;
	s5 =	sadd.s32 s22, s3  }
0x15: {  	[timem:s7], [sflag:s23] =	dma.local [hbm:s5], s21  }
0x16: {  	_ =	swait.ge [sflag:s23], s21  }
0x17: {  	s4 =	ssub.s32 $0x0, s21;
	[sflag:s23] =	ssyncset.done $0x0  }
0x18: {  	[sflag:s23] =	ssyncadd.s32 s4;
	_ =	sdelay $0x1  }
0x19: {  	s24 =	simm.s32 $0x1B8B  }
0x1a: {  	_ =	swait.ge [sflag:s24], $0x1  }
0x1b: {  	[sflag:s24] =	ssyncset.done $0x0  }
0x1c: {  	s26 =	simm.s32 $0x1B8E;
	s25 =	sld [smem:$0x3FFE];
	[sflag:s24] =	ssyncadd.s32 $0xFFFFFFFF  }
0x1d: {  	s27 =	simm.s32 $execute0_lowered;
	[smem:$0x3FD2] =	sst s26  }
0x1e: {  	s5 =	sshll.u32 s27, $0x1;
	_ =	strace $0x8000004C;
	[dreg:$0x1] =	wrdreg $0xFFFFFFFF  }
0x1f: {  	s28 =	simm.s32 $_size_execute0_lowered;
	s3 =	sadd.s32 s3, s5;
	[dreg:$0x0] =	wrdreg $0x0  }
0x20: {  	s5 =	sshll.u32 s28, $0x1;
	[dreg:$0x2] =	wrdreg s3  }
0x21: {  	[dreg:$0x3] =	wrdreg s5  }
0x22: {  	[dreg:$0x4] =	wrdreg $0xC0  }
0x23: {  	_ =	task [dreg:s7], $0x5FFFF  }
0x24: {  	[dreg:$0x1] =	wrdreg $0xFFFFFFFF  }
0x25: {  	[dreg:$0x0] =	wrdreg $0x60  }
0x26: {  	[dreg:$0x2] =	wrdreg s25  }
0x27: {  	[dreg:$0x3] =	wrdreg s2  }
0x28: {  	[dreg:$0x4] =	wrdreg $0x9  }
0x29: {  	_ =	task.clear_ibuf [dreg:s7], $0x5FFFF;
	_ =	strace $0x9000004C  }
0x2a: {  	s29 =	simm.s32 $0x9;
	_ =	strace $0x8000004E  }
0x2b: {  	_ =	swait.ge [sflag:s29], $0x1  }
0x2c: {  	[sflag:s29] =	ssyncadd.s32 $0xFFFFFFFF  }
0x2d: {  	_ =	strace $0x9000004E  }
0x2e: {  	_ =	sfence  }
0x2f: {  	s30 =	sld [smem:$0x0];
	_ =	sdelay $0x2  }
0x30: {  	s31 =	sshll.u32 s1, $0xD;
	s1 =	sshrl.u32 s1, $0x2  }
0x31: {  	s3 =	sand.u32 $0x4000, s31;
	s1 =	sadd.s32 s1, s30  }
0x32: {  	s0 =	sor.u32 s3, s0;
	s1 =	sshll.u32 s1, $0x11  }
0x33: {  	s0 =	sor.u32 s1, s0  }
0x34: {  	s0 =	sadd.s32 $0x8F2B, s0  }
0x35: {  	[sflag:s0] =	ssyncadd.remote.s32 $0x1  }
0x36: {  	_ =	sfence.sel $0xFFFF  }
0x37: {  	[dreg:$0x0] =	wrdreg $0xFFFFFFFF;
	(pc) =	sbr.abs _section_cstart, $3  }
0x38: {  	[dreg:$0x1] =	wrdreg $0xFFFFFFFF  }
0x39: {  	_ =	task.clear_ibuf [dreg:s7], $0x2FFFF;
	_ =	strace $0x9FFFFFFF  }
0x3a: {  	(tm) =	ssettm $0x7FFFFFFF  }
0x3b: {  	_ =	shalt  }
tec
execute0_lowered:
.L_overlay_start_1:
0x0: {  	(tag) =	ssettag $0x1  }
0x1: {  	s0 =	stileid.u32;
	s6 =	rddreg [dreg:$0x0]  }
0x2: {  	s2 =	rddreg [dreg:$0x1];
	s5 =	srdreg.scid  }
0x3: {  	s31 =	simm.s32 $0x2;
	s13 =	simm.s32 $0x0;
	s1 =	sshll.u32 s0, $0x7  }
0x4: {  	s14 =	simm.s32 $0x0;
	s12 =	simm.s32 $0x0;
	s3 =	sand.u32 $0x380, s1  }
0x5: {  	s5 =	sshll.u32 s5, $0x4;
	s6 =	sadd.s32 $0x6AB200, s6;
	s4 =	ssub.s32 $0x400, s3  }
0x6: {  	s1 =	rddreg [dreg:$0x2];
	_ =	strace $0x8000004D;
	s7 =	sand.u32 $0x380, s4  }
0x7: {  	s5 =	sand.u32 $0x10, s5;
	p0 =	sne.s32 s7, $0x0;
	s7 =	simm.s32 $0x1  }
.Ltmp0:
0x8: {  	s8 =	sshrl.u32 s4, $0xA;
	s7 =	simm.s32 @!p0 $0x0;
	(pc) =	sbr.rel .LBB1_1-.Ltmp0, $4  }
0x9: {  	s9 =	sor.u32 s0, s5;
	s4 =	simm.s32 $0x1;
	s30 =	sadd.s32 s7, s8  }
0xa: {  	s11 =	smov.u32 s3;
	[sflag:s4] =	ssyncpa.u1 $0x0;
	s5 =	smul.u32 $0x32, s30  }
0xb: {  	[sflag:s31] =	ssyncpa.u1 $0x0;
	p0 =	por $0x0, $0x0;
	s7 =	sshrl.u32 s9, $0x3  }
0xc: {  	s9 =	simm.s32 $0x2000;
	s10 =	smov.u32 s7;
	s8 =	sor.u32 $0x1, s5  }
.LBB1_4:
0xd: {  	s17 =	sand.u32 $0x1F80, s14;
	s13 =	sshll.u32 s13, $0xD  }
0xe: {  	[tilespmem:s16+$0x810 ss:$0x81] =	vst.msk $0xffff, v2;
	s18 =	sshrl.u32 s14, $0x3;
	s31 =	sand.u32 $0x7, s14;
	s17 =	sadd.s32 s2, s17  }
0xf: {  	[tilespmem:s16+$0x1020 ss:$0x81] =	vst.msk $0xffff, v0;
	s18 =	sand.u32 $0xF, s18;
	s14 =	sshll.u32 s31, $0x12;
	s13 =	sadd.s32 s13, s17  }
0x10: {  	[tilespmem:s16+$0x0 ss:$0x81] =	vst.msk $0xffff, v1;
	s14 =	sor.u32 $0x400, s14;
	s13 =	sadd.s32 s18, s13  }
0x11: {  	[hbm4b:s13+s14] =	stream.strided.scatter [tilespmem:s15], [sflag:$0x2], $0x2000, s9, s14, $0x20;
	[tilespmem:$0x8080] =	vst v63  }
.LBB1_5:
0x12: {  	s15 =	sadd.s32 $0x4, s10  }
0x13: {  	s13 =	sadd.s32 $0x400, s11;
	s17 =	smov.u32 s11;
	p2 =	sgt.s32 s15, $0xC7  }
0x14: {  	s17 =	smov.u32 @p2 s13  }
0x15: {  	s15 =	smov.u32 @p2 s7;
	p2 =	sgt.s32 s17, $0x3FF  }
0x16: {  	s17 =	smov.u32 @p2 s3;
	p2 =	sne.s32 s12, s8  }
.Ltmp1:
0x17: {  	p1 =	slt.u32 s12, $0x2;
	(pc) =	sbr.rel @!p2 .LBB1_6-.Ltmp1, $4  }
0x18: {  	s16 =	simm.s32 @!p1 $0x2  }
0x19: {  	s14 =	smov.u32 s11;
	p0 =	por !p0, !p0;
	_ =	swait.ge @!p1 [sflag:s16], $0x2000  }
0x1a: {  	s13 =	smov.u32 s10;
	[sflag:s16] =	ssyncset.done @!p1 $0x0;
	s10 =	smov.u32 s15  }
0x1b: {  	s12 =	sadd.s32 $0x1, s12;
	[sflag:s16] =	ssyncadd.s32 @!p1 $0xFFFFE000;
	s11 =	smov.u32 s17  }
.LBB1_1:
0x1c: {  	p1 =	sge.u32 s12, s5  }
0x1d: {  	s15 =	sand.u32 @!p1 $0x1FFFFFF, s10  }
0x1e: {  	s16 =	smulhi.u32 @!p1 $0x147AE15, s15;
	_ =	sdelay $0x1  }
0x1f: {  	s16 =	smul.u32 @!p1 $0xC8, s16  }
0x20: {  	s17 =	sxor.u32 @!p1 $0xFFFFFFFF, s12;
	s18 =	smul.u32 @!p1 $0xC80, s11  }
0x21: {  	s31 =	sadd.s32 $0xFFFFFFFF, s12;
	s17 =	sshll.u32 @!p1 s17, $0xD;
	s15 =	ssub.s32 @!p1 s15, s16  }
0x22: {  	s16 =	sand.u32 @!p1 $0x2000, s17;
	s17 =	sadd.s32 @!p1 s6, s18;
	s15 =	sshll.u32 @!p1 s15, $0x4  }
0x23: {  	s18 =	simm.s32 @!p1 $0x6400;
	s15 =	sadd.s32 @!p1 s15, s17;
	s17 =	simm.s32 @!p1 $0x40  }
0x24: {  	[tilespmem:s16], [sflag:$0x1] =	stream.strided.gather @!p1 [hbm4b:s15+s17], $0x2000, s18, s17, $0x38;
	[tilespmem:$0x8080] =	vst v63  }
0x25: {  	p1 =	sge.u32 s31, s5  }
.Ltmp2:
0x26: {  	_ = 	snop;
	(pc) =	sbr.rel @p1 .LBB1_5-.Ltmp2, $1  }
0x27: {  	_ =	sdelay $0x3  }
0x28: {  	s15 =	simm.s32 $0x1  }
0x29: {  	_ =	swait.ge [sflag:s4], $0x2000;
	s15 =	simm.s32 @!p0 $0x0  }
0x2a: {  	[sflag:s4] =	ssyncset.done $0x0;
	s16 =	sshll.u32 s15, $0xD  }
0x2b: {  	[sflag:s4] =	ssyncadd.s32 $0xFFFFE000;
	s19 =	sor.u32 $0x20, s16  }
0x2c: {  	s15 =	smul.u32 $0x8100, s15;
	v3 =	vld [tilespmem:s19+$0x10]  }
0x2d: {  	s30 =	sand.u32 $0x1, s12;
	v2 =	vld [tilespmem:s19+$0xFFFFFFF0]  }
0x2e: {  	s16 =	smul.u32 $0x8100, s30;
	s15 =	sshrl.u32 s15, $0x2;
	v0 =	vld [tilespmem:s19+$0x0]  }
0x2f: {  	v1 =	vld [tilespmem:s19+$0xFFFFFFE0];
	s17 =	sor.u32 $0x4000, s15  }
0x30: {  	s31 =	sshrl.u32 s16, $0x2;
	s16 =	sadd.s32 $0x0, s17  }
0x31: {  	s18 =	simm.s32 $0x4;
	s19 =	sadd.s32 $0x40, s19;
	s15 =	sor.u32 $0x4000, s31;
	[tilespmem:s16+$0x1830 ss:$0x81] =	vst.msk $0xffff, v3  }
.LBB1_3:
0x32: {  	v3 =	vld [tilespmem:s19+$0x10];
	p1 =	sne.s32 s18, $0x1FC;
	[tilespmem:s16+$0x810 ss:$0x81] =	vst.msk $0xffff, v2;
	s20 =	smov.u32 s18;
	s18 =	sadd.s32 $0x4, s18  }
.Ltmp3:
0x33: {  	v2 =	vld [tilespmem:s19+$0xFFFFFFF0];
	[tilespmem:s16+$0x1020 ss:$0x81] =	vst.msk $0xffff, v0;
	(pc) =	sbr.rel @p1 .LBB1_3-.Ltmp3, $4  }
0x34: {  	v0 =	vld [tilespmem:s19+$0x0];
	[tilespmem:s16+$0x0 ss:$0x81] =	vst.msk $0xffff, v1  }
0x35: {  	s16 =	sshra.s32 s20, $0x2;
	v1 =	vld [tilespmem:s19+$0xFFFFFFE0]  }
0x36: {  	s16 =	sadd.s32 s16, s17  }
0x37: {  	s19 =	sadd.s32 $0x40, s19;
	[tilespmem:s16+$0x1830 ss:$0x81] =	vst.msk $0xffff, v3  }
.Ltmp4:
0x38: {  	_ = 	snop;
	(pc) =	sbr.rel .LBB1_4-.Ltmp4, $1  }
0x39: {  	_ =	sdelay $0x3  }
.LBB1_6:
0x3a: {  	_ =	sfence.sel $0x180000  }
0x3b: {  	s2 =	simm.s32 $0x1;
	[bflag:$0x0] =	sbarrier.arrive $0xFFFF  }
0x3c: {  	s31 =	simm.s32 $0x2;
	[sflag:s2] =	ssyncpa.u1 $0x1  }
0x3d: {  	[sflag:s31] =	ssyncpa.u1 $0x1  }
0x3e: {  	p0 =	sne.s32 s0, $0x0;
	_ =	strace $0x9000004D  }
0x3f: {  	s0 =	sadd.s32 @!p0 $0x100000, s1;
	[bflag:$0x2] =	sbarrier.arrive $0xFFFF  }
0x40: {  	[sflag:s0] =	ssyncadd.tile.s32 @!p0 $0x1;
	_ =	shalt  }
.Lfunc_end1:
_tile_overlayer_lowered:
.L_overlay_start_2:
0x41: {  	(tag) =	ssettag $0x2  }
0x42: {  	s0 =	rddreg [dreg:$0x0];
	s2 =	stileid.u32  }
0x43: {  	s1 =	rddreg [dreg:$0x1];
	p0 =	sne.s32 s2, $0x0  }
0x44: {  	s3 =	rddreg [dreg:$0x2];
	[bflag:$0x3] =	sbarrier.arrive $0xFFFF;
	s2 =	simm.s32 @!p0 $0x1C01  }
0x45: {  	[timem:s3], [sflag:s2] =	dma.local @!p0 [hbm:s0], s1  }
0x46: {  	s0 =	simm.s32 @!p0 $0x1  }
0x47: {  	_ =	swait.ge @!p0 [sflag:s0], s1  }
0x48: {  	s1 =	ssub.s32 @!p0 $0x0, s1;
	[sflag:s0] =	ssyncset.done @!p0 $0x0  }
0x49: {  	[sflag:s0] =	ssyncadd.s32 @!p0 s1  }
0x4a: {  	[bflag:$0x3] =	sbarrier.arrive $0xFFFF  }
0x4b: {  	_ =	shalt  }

</sc_bundles>
